<compile_context>
chip_gen: v7x
topology: tpu7x:2x2x1
jax: 0.10.2.dev20260603
libtpu: 0.0.44.dev20260713+nightly
codegen_flags: <defaults>
</compile_context>

<pallas_src>
import functools

import jax
import jax.numpy as jnp
from jax import lax
from jax.experimental import pallas as pl
from jax.experimental.pallas import tpu as pltpu
from jax.experimental.pallas import tpu_sc as plsc

_NC = 2
_NS = 16
_NW = _NC * _NS
_LANES = 16
_NSLOT = 8
_LOOK = 4


def _build_sc_lookup(n_tokens, n_sc, vocab, d_model, seq_len):
    assert n_sc % _NW == 0
    per_w = n_sc // _NW
    chunk = seq_len
    assert per_w % chunk == 0
    n_chunks = per_w // chunk
    assert n_chunks % _NSLOT == 0 and n_chunks >= 2 * _NSLOT
    n_col = d_model // _LANES

    mesh = plsc.VectorSubcoreMesh(core_axis_name="c", subcore_axis_name="s")

    @functools.partial(
        pl.kernel,
        mesh=mesh,
        compiler_params=pltpu.CompilerParams(use_tc_tiling_on_sc=False),
        out_type=jax.ShapeDtypeStruct((n_tokens, d_model), jnp.float32),
        scratch_types=(
            [pltpu.VMEM((seq_len, d_model), jnp.float32)]
            + [pltpu.VMEM((chunk,), jnp.int32)] * _NSLOT
            + [pltpu.VMEM((chunk, d_model), jnp.float32)] * _NSLOT
            + [pltpu.SemaphoreType.DMA] * (3 * _NSLOT)
        ),
    )
    def run(x_hbm, emb_hbm, pe_hbm, out_hbm, *scr):
        pe_v = scr[0]
        idx_v = scr[1:1 + _NSLOT]
        rows_v = scr[1 + _NSLOT:1 + 2 * _NSLOT]
        isem = scr[1 + 2 * _NSLOT:1 + 3 * _NSLOT]
        gsem = scr[1 + 3 * _NSLOT:1 + 4 * _NSLOT]
        osem = scr[1 + 4 * _NSLOT:1 + 5 * _NSLOT]

        wid = lax.axis_index("s") * _NC + lax.axis_index("c")
        base = wid * per_w

        def idx_copy(b, c):
            return pltpu.make_async_copy(
                x_hbm.at[pl.ds(base + c * chunk, chunk)], idx_v[b], isem[b])

        def gather(b):
            return pltpu.make_async_copy(emb_hbm.at[idx_v[b]], rows_v[b], gsem[b])

        def writeback(b, c):
            return pltpu.make_async_copy(
                rows_v[b], out_hbm.at[pl.ds(base + c * chunk, chunk)], osem[b])

        def pe_add(b):
            @pl.loop(0, seq_len)
            def _pe_loop(l):
                pv = [pe_v[l, pl.ds(cc * _LANES, _LANES)] for cc in range(n_col)]
                for cc in range(n_col):
                    plsc.addupdate(
                        rows_v[b].at[l, pl.ds(cc * _LANES, _LANES)], pv[cc])

        pltpu.sync_copy(pe_hbm, pe_v)

        for b in range(_NSLOT):
            idx_copy(b, b).start()
        for b in range(_LOOK):
            idx_copy(b, b).wait()
            gather(b).start()

        @pl.loop(0, n_chunks, step=_NSLOT)
        def _chunk_loop(c0):
            for b in range(_NSLOT):
                c = c0 + b
                bl = (b + _LOOK) % _NSLOT

                @pl.when(c + _LOOK < n_chunks)
                def _issue_next_gather():
                    @pl.when(c + _LOOK - _NSLOT >= 0)
                    def _drain_wb():
                        writeback(bl, c + _LOOK - _NSLOT).wait()
                    idx_copy(bl, c + _LOOK).wait()
                    gather(bl).start()

                gather(b).wait()
                pe_add(b)
                writeback(b, c).start()

                @pl.when(c + _NSLOT < n_chunks)
                def _prefetch_idx():
                    idx_copy(b, c + _NSLOT).start()

        for b in range(_NSLOT):
            writeback(b, n_chunks - _NSLOT + b).wait()

    return run


def kernel(x, emb, pe):
    batch, seq_len = x.shape
    vocab, d_model = emb.shape
    n_tokens = batch * seq_len
    x_flat = x.reshape(n_tokens).astype(jnp.int32)
    pe_block = pe[0, :seq_len].astype(jnp.float32)
    run = _build_sc_lookup(n_tokens, n_tokens, vocab, d_model, seq_len)
    out_flat = run(x_flat, emb, pe_block)
    return out_flat.reshape(batch, seq_len, d_model)

# --- scband reference (transcript-rebuilt; emitter-appended) ---
"""Pipeline reference for scband-positional-word-embedding-85736137162896 (READ-ONLY COPY).

The authoritative reference and input builder live on the scoring server;
editing this copy changes nothing except your own understanding.
"""

import jax, jax.numpy as jnp
import numpy as np
import math

D_MODEL = 64
N_TOKENS = 100000
MAX_LEN = 5000

def make_pe(max_len, d_model):
    position = np.arange(0, max_len, dtype=np.float32)[:, None]
    div_term = np.exp(np.arange(0, d_model, 2, dtype=np.float32) * -(math.log(10000.0) / d_model))
    pe = np.zeros((max_len, d_model), dtype=np.float32)
    pe[:, 0::2] = np.sin(position * div_term)
    pe[:, 1::2] = np.cos(position * div_term)
    return jnp.asarray(pe)[None]  # [1, max_len, d_model]

def setup_inputs(seed: int = 0) -> dict:
    key = jax.random.key(seed)
    k1, k2 = jax.random.split(key)
    x = jax.random.randint(k1, (4096, 200), 0, N_TOKENS, dtype=jnp.int64)
    emb = jax.random.normal(k2, (N_TOKENS, D_MODEL), dtype=jnp.float32)
    pe = make_pe(MAX_LEN, D_MODEL)
    return {"x": x, "emb": emb, "pe": pe}

def reference(x, emb, pe):
    x = x.astype(jnp.int64)
    seq_len = x.shape[1]
    gathered = jnp.take(emb, x, axis=0)  # [B, L, d_model]
    return (pe[:, :seq_len] + gathered).astype(jnp.float32)

if __name__ == "__main__":
    import jax
    _d = setup_inputs()
    print(jax.jit(kernel)(*tuple(_d.values())))

</pallas_src>

<mosaic_0001>
#map = affine_map<(d0, d1) -> (0)>
#map1 = affine_map<(d0, d1) -> (0, 0)>
module attributes {stable_mosaic.version = 14 : i64} {
  func.func @run(%arg0: i32, %arg1: i32, %arg2: memref<819200xi32, #tpu.memory_space<hbm>>, %arg3: memref<100000x64xf32, #tpu.memory_space<hbm>>, %arg4: memref<200x64xf32, #tpu.memory_space<hbm>>, %arg5: memref<819200x64xf32, #tpu.memory_space<hbm>>, %arg6: memref<200x64xf32, #tpu.memory_space<vmem>>, %arg7: memref<200xi32, #tpu.memory_space<vmem>>, %arg8: memref<200xi32, #tpu.memory_space<vmem>>, %arg9: memref<200xi32, #tpu.memory_space<vmem>>, %arg10: memref<200xi32, #tpu.memory_space<vmem>>, %arg11: memref<200xi32, #tpu.memory_space<vmem>>, %arg12: memref<200xi32, #tpu.memory_space<vmem>>, %arg13: memref<200xi32, #tpu.memory_space<vmem>>, %arg14: memref<200xi32, #tpu.memory_space<vmem>>, %arg15: memref<200x64xf32, #tpu.memory_space<vmem>>, %arg16: memref<200x64xf32, #tpu.memory_space<vmem>>, %arg17: memref<200x64xf32, #tpu.memory_space<vmem>>, %arg18: memref<200x64xf32, #tpu.memory_space<vmem>>, %arg19: memref<200x64xf32, #tpu.memory_space<vmem>>, %arg20: memref<200x64xf32, #tpu.memory_space<vmem>>, %arg21: memref<200x64xf32, #tpu.memory_space<vmem>>, %arg22: memref<200x64xf32, #tpu.memory_space<vmem>>, %arg23: memref<!tpu.dma_semaphore, #tpu.memory_space<semaphore_mem>>, %arg24: memref<!tpu.dma_semaphore, #tpu.memory_space<semaphore_mem>>, %arg25: memref<!tpu.dma_semaphore, #tpu.memory_space<semaphore_mem>>, %arg26: memref<!tpu.dma_semaphore, #tpu.memory_space<semaphore_mem>>, %arg27: memref<!tpu.dma_semaphore, #tpu.memory_space<semaphore_mem>>, %arg28: memref<!tpu.dma_semaphore, #tpu.memory_space<semaphore_mem>>, %arg29: memref<!tpu.dma_semaphore, #tpu.memory_space<semaphore_mem>>, %arg30: memref<!tpu.dma_semaphore, #tpu.memory_space<semaphore_mem>>, %arg31: memref<!tpu.dma_semaphore, #tpu.memory_space<semaphore_mem>>, %arg32: memref<!tpu.dma_semaphore, #tpu.memory_space<semaphore_mem>>, %arg33: memref<!tpu.dma_semaphore, #tpu.memory_space<semaphore_mem>>, %arg34: memref<!tpu.dma_semaphore, #tpu.memory_space<semaphore_mem>>, %arg35: memref<!tpu.dma_semaphore, #tpu.memory_space<semaphore_mem>>, %arg36: memref<!tpu.dma_semaphore, #tpu.memory_space<semaphore_mem>>, %arg37: memref<!tpu.dma_semaphore, #tpu.memory_space<semaphore_mem>>, %arg38: memref<!tpu.dma_semaphore, #tpu.memory_space<semaphore_mem>>, %arg39: memref<!tpu.dma_semaphore, #tpu.memory_space<semaphore_mem>>, %arg40: memref<!tpu.dma_semaphore, #tpu.memory_space<semaphore_mem>>, %arg41: memref<!tpu.dma_semaphore, #tpu.memory_space<semaphore_mem>>, %arg42: memref<!tpu.dma_semaphore, #tpu.memory_space<semaphore_mem>>, %arg43: memref<!tpu.dma_semaphore, #tpu.memory_space<semaphore_mem>>, %arg44: memref<!tpu.dma_semaphore, #tpu.memory_space<semaphore_mem>>, %arg45: memref<!tpu.dma_semaphore, #tpu.memory_space<semaphore_mem>>, %arg46: memref<!tpu.dma_semaphore, #tpu.memory_space<semaphore_mem>>) attributes {dimension_semantics = [#tpu.dimension_semantics<core_parallel>, #tpu.dimension_semantics<subcore_parallel>], iteration_bounds = array<i64: 2, 16>, scalar_prefetch = 0 : i64, scratch_operands = 41 : i64, tpu.core_type = #tpu.core_type<sc_vector_subcore>, window_params = [{transform_indices = #map}, {transform_indices = #map1}, {transform_indices = #map1}, {transform_indices = #map1}]} {
    %mul3A = arith.constant 2 : i32
    %mul3A_0 = arith.muli %arg1, %mul3A : i32
    %add3A = arith.addi %mul3A_0, %arg0 : i32
    %mul3A_1 = arith.constant 25600 : i32
    %mul3A_2 = arith.muli %add3A, %mul3A_1 : i32
    "tpu.region"() ({
      %run_scoped3A = tpu.sem_alloc : memref<!tpu.dma_semaphore, #tpu.memory_space<semaphore_mem>>
      tpu.enqueue_dma source(%arg4 : memref<200x64xf32, #tpu.memory_space<hbm>>) target(%arg6 : memref<200x64xf32, #tpu.memory_space<vmem>>) target_semaphore(%run_scoped3A : memref<!tpu.dma_semaphore, #tpu.memory_space<semaphore_mem>>)
      tpu.wait_dma2 semaphore(%run_scoped3A : memref<!tpu.dma_semaphore, #tpu.memory_space<semaphore_mem>>) src(%arg4 : memref<200x64xf32, #tpu.memory_space<hbm>>) dst(%arg6 : memref<200x64xf32, #tpu.memory_space<vmem>>)
      tpu.yield
    }) : () -> ()
    %add3A_3 = arith.constant 0 : i32
    %add3A_4 = arith.addi %mul3A_2, %add3A_3 : i32
    %dma_start3A = tpu.memref_slice %arg2[%add3A_4] : memref<819200xi32, #tpu.memory_space<hbm>> -> memref<200xi32, #tpu.memory_space<hbm>>
    %dma_start3A_5 = tpu.memref_slice %arg2[%add3A_4] : memref<819200xi32, #tpu.memory_space<hbm>> -> memref<200xi32, #tpu.memory_space<hbm>>
    tpu.enqueue_dma source(%dma_start3A_5 : memref<200xi32, #tpu.memory_space<hbm>>) target(%arg7 : memref<200xi32, #tpu.memory_space<vmem>>) target_semaphore(%arg23 : memref<!tpu.dma_semaphore, #tpu.memory_space<semaphore_mem>>)
    %add3A_6 = arith.constant 200 : i32
    %add3A_7 = arith.addi %mul3A_2, %add3A_6 : i32
    %dma_start3A_8 = tpu.memref_slice %arg2[%add3A_7] : memref<819200xi32, #tpu.memory_space<hbm>> -> memref<200xi32, #tpu.memory_space<hbm>>
    %dma_start3A_9 = tpu.memref_slice %arg2[%add3A_7] : memref<819200xi32, #tpu.memory_space<hbm>> -> memref<200xi32, #tpu.memory_space<hbm>>
    tpu.enqueue_dma source(%dma_start3A_9 : memref<200xi32, #tpu.memory_space<hbm>>) target(%arg8 : memref<200xi32, #tpu.memory_space<vmem>>) target_semaphore(%arg24 : memref<!tpu.dma_semaphore, #tpu.memory_space<semaphore_mem>>)
    %add3A_10 = arith.constant 400 : i32
    %add3A_11 = arith.addi %mul3A_2, %add3A_10 : i32
    %dma_start3A_12 = tpu.memref_slice %arg2[%add3A_11] : memref<819200xi32, #tpu.memory_space<hbm>> -> memref<200xi32, #tpu.memory_space<hbm>>
    %dma_start3A_13 = tpu.memref_slice %arg2[%add3A_11] : memref<819200xi32, #tpu.memory_space<hbm>> -> memref<200xi32, #tpu.memory_space<hbm>>
    tpu.enqueue_dma source(%dma_start3A_13 : memref<200xi32, #tpu.memory_space<hbm>>) target(%arg9 : memref<200xi32, #tpu.memory_space<vmem>>) target_semaphore(%arg25 : memref<!tpu.dma_semaphore, #tpu.memory_space<semaphore_mem>>)
    %add3A_14 = arith.constant 600 : i32
    %add3A_15 = arith.addi %mul3A_2, %add3A_14 : i32
    %dma_start3A_16 = tpu.memref_slice %arg2[%add3A_15] : memref<819200xi32, #tpu.memory_space<hbm>> -> memref<200xi32, #tpu.memory_space<hbm>>
    %dma_start3A_17 = tpu.memref_slice %arg2[%add3A_15] : memref<819200xi32, #tpu.memory_space<hbm>> -> memref<200xi32, #tpu.memory_space<hbm>>
    tpu.enqueue_dma source(%dma_start3A_17 : memref<200xi32, #tpu.memory_space<hbm>>) target(%arg10 : memref<200xi32, #tpu.memory_space<vmem>>) target_semaphore(%arg26 : memref<!tpu.dma_semaphore, #tpu.memory_space<semaphore_mem>>)
    %add3A_18 = arith.constant 800 : i32
    %add3A_19 = arith.addi %mul3A_2, %add3A_18 : i32
    %dma_start3A_20 = tpu.memref_slice %arg2[%add3A_19] : memref<819200xi32, #tpu.memory_space<hbm>> -> memref<200xi32, #tpu.memory_space<hbm>>
    %dma_start3A_21 = tpu.memref_slice %arg2[%add3A_19] : memref<819200xi32, #tpu.memory_space<hbm>> -> memref<200xi32, #tpu.memory_space<hbm>>
    tpu.enqueue_dma source(%dma_start3A_21 : memref<200xi32, #tpu.memory_space<hbm>>) target(%arg11 : memref<200xi32, #tpu.memory_space<vmem>>) target_semaphore(%arg27 : memref<!tpu.dma_semaphore, #tpu.memory_space<semaphore_mem>>)
    %add3A_22 = arith.constant 1000 : i32
    %add3A_23 = arith.addi %mul3A_2, %add3A_22 : i32
    %dma_start3A_24 = tpu.memref_slice %arg2[%add3A_23] : memref<819200xi32, #tpu.memory_space<hbm>> -> memref<200xi32, #tpu.memory_space<hbm>>
    %dma_start3A_25 = tpu.memref_slice %arg2[%add3A_23] : memref<819200xi32, #tpu.memory_space<hbm>> -> memref<200xi32, #tpu.memory_space<hbm>>
    tpu.enqueue_dma source(%dma_start3A_25 : memref<200xi32, #tpu.memory_space<hbm>>) target(%arg12 : memref<200xi32, #tpu.memory_space<vmem>>) target_semaphore(%arg28 : memref<!tpu.dma_semaphore, #tpu.memory_space<semaphore_mem>>)
    %add3A_26 = arith.constant 1200 : i32
    %add3A_27 = arith.addi %mul3A_2, %add3A_26 : i32
    %dma_start3A_28 = tpu.memref_slice %arg2[%add3A_27] : memref<819200xi32, #tpu.memory_space<hbm>> -> memref<200xi32, #tpu.memory_space<hbm>>
    %dma_start3A_29 = tpu.memref_slice %arg2[%add3A_27] : memref<819200xi32, #tpu.memory_space<hbm>> -> memref<200xi32, #tpu.memory_space<hbm>>
    tpu.enqueue_dma source(%dma_start3A_29 : memref<200xi32, #tpu.memory_space<hbm>>) target(%arg13 : memref<200xi32, #tpu.memory_space<vmem>>) target_semaphore(%arg29 : memref<!tpu.dma_semaphore, #tpu.memory_space<semaphore_mem>>)
    %add3A_30 = arith.constant 1400 : i32
    %add3A_31 = arith.addi %mul3A_2, %add3A_30 : i32
    %dma_start3A_32 = tpu.memref_slice %arg2[%add3A_31] : memref<819200xi32, #tpu.memory_space<hbm>> -> memref<200xi32, #tpu.memory_space<hbm>>
    %dma_start3A_33 = tpu.memref_slice %arg2[%add3A_31] : memref<819200xi32, #tpu.memory_space<hbm>> -> memref<200xi32, #tpu.memory_space<hbm>>
    tpu.enqueue_dma source(%dma_start3A_33 : memref<200xi32, #tpu.memory_space<hbm>>) target(%arg14 : memref<200xi32, #tpu.memory_space<vmem>>) target_semaphore(%arg30 : memref<!tpu.dma_semaphore, #tpu.memory_space<semaphore_mem>>)
    %add3A_34 = arith.constant 0 : i32
    %add3A_35 = arith.addi %mul3A_2, %add3A_34 : i32
    %dma_wait3A = tpu.memref_slice %arg2[%add3A_35] : memref<819200xi32, #tpu.memory_space<hbm>> -> memref<200xi32, #tpu.memory_space<hbm>>
    %dma_wait3A_36 = tpu.memref_slice %arg2[%add3A_35] : memref<819200xi32, #tpu.memory_space<hbm>> -> memref<200xi32, #tpu.memory_space<hbm>>
    tpu.wait_dma2 semaphore(%arg23 : memref<!tpu.dma_semaphore, #tpu.memory_space<semaphore_mem>>) src(%dma_wait3A_36 : memref<200xi32, #tpu.memory_space<hbm>>) dst(%arg7 : memref<200xi32, #tpu.memory_space<vmem>>)
    %dma_start3A_37 = arith.constant 0 : i32
    %dma_start3A_38 = arith.constant 0 : i32
    %dma_start3A_39 = tpu.memref_slice %arg3[%dma_start3A_37, %dma_start3A_38] : memref<100000x64xf32, #tpu.memory_space<hbm>> -> memref<100000x64xf32, #tpu.memory_space<hbm>>
    tpu.enqueue_indirect_dma source(%dma_start3A_39 : memref<100000x64xf32, #tpu.memory_space<hbm>>) target(%arg15 : memref<200x64xf32, #tpu.memory_space<vmem>>) offsets(%arg7 : memref<200xi32, #tpu.memory_space<vmem>>) semaphore(%arg31 : memref<!tpu.dma_semaphore, #tpu.memory_space<semaphore_mem>>)
    %add3A_40 = arith.constant 200 : i32
    %add3A_41 = arith.addi %mul3A_2, %add3A_40 : i32
    %dma_wait3A_42 = tpu.memref_slice %arg2[%add3A_41] : memref<819200xi32, #tpu.memory_space<hbm>> -> memref<200xi32, #tpu.memory_space<hbm>>
    %dma_wait3A_43 = tpu.memref_slice %arg2[%add3A_41] : memref<819200xi32, #tpu.memory_space<hbm>> -> memref<200xi32, #tpu.memory_space<hbm>>
    tpu.wait_dma2 semaphore(%arg24 : memref<!tpu.dma_semaphore, #tpu.memory_space<semaphore_mem>>) src(%dma_wait3A_43 : memref<200xi32, #tpu.memory_space<hbm>>) dst(%arg8 : memref<200xi32, #tpu.memory_space<vmem>>)
    %dma_start3A_44 = arith.constant 0 : i32
    %dma_start3A_45 = arith.constant 0 : i32
    %dma_start3A_46 = tpu.memref_slice %arg3[%dma_start3A_44, %dma_start3A_45] : memref<100000x64xf32, #tpu.memory_space<hbm>> -> memref<100000x64xf32, #tpu.memory_space<hbm>>
    tpu.enqueue_indirect_dma source(%dma_start3A_46 : memref<100000x64xf32, #tpu.memory_space<hbm>>) target(%arg16 : memref<200x64xf32, #tpu.memory_space<vmem>>) offsets(%arg8 : memref<200xi32, #tpu.memory_space<vmem>>) semaphore(%arg32 : memref<!tpu.dma_semaphore, #tpu.memory_space<semaphore_mem>>)
    %add3A_47 = arith.constant 400 : i32
    %add3A_48 = arith.addi %mul3A_2, %add3A_47 : i32
    %dma_wait3A_49 = tpu.memref_slice %arg2[%add3A_48] : memref<819200xi32, #tpu.memory_space<hbm>> -> memref<200xi32, #tpu.memory_space<hbm>>
    %dma_wait3A_50 = tpu.memref_slice %arg2[%add3A_48] : memref<819200xi32, #tpu.memory_space<hbm>> -> memref<200xi32, #tpu.memory_space<hbm>>
    tpu.wait_dma2 semaphore(%arg25 : memref<!tpu.dma_semaphore, #tpu.memory_space<semaphore_mem>>) src(%dma_wait3A_50 : memref<200xi32, #tpu.memory_space<hbm>>) dst(%arg9 : memref<200xi32, #tpu.memory_space<vmem>>)
    %dma_start3A_51 = arith.constant 0 : i32
    %dma_start3A_52 = arith.constant 0 : i32
    %dma_start3A_53 = tpu.memref_slice %arg3[%dma_start3A_51, %dma_start3A_52] : memref<100000x64xf32, #tpu.memory_space<hbm>> -> memref<100000x64xf32, #tpu.memory_space<hbm>>
    tpu.enqueue_indirect_dma source(%dma_start3A_53 : memref<100000x64xf32, #tpu.memory_space<hbm>>) target(%arg17 : memref<200x64xf32, #tpu.memory_space<vmem>>) offsets(%arg9 : memref<200xi32, #tpu.memory_space<vmem>>) semaphore(%arg33 : memref<!tpu.dma_semaphore, #tpu.memory_space<semaphore_mem>>)
    %add3A_54 = arith.constant 600 : i32
    %add3A_55 = arith.addi %mul3A_2, %add3A_54 : i32
    %dma_wait3A_56 = tpu.memref_slice %arg2[%add3A_55] : memref<819200xi32, #tpu.memory_space<hbm>> -> memref<200xi32, #tpu.memory_space<hbm>>
    %dma_wait3A_57 = tpu.memref_slice %arg2[%add3A_55] : memref<819200xi32, #tpu.memory_space<hbm>> -> memref<200xi32, #tpu.memory_space<hbm>>
    tpu.wait_dma2 semaphore(%arg26 : memref<!tpu.dma_semaphore, #tpu.memory_space<semaphore_mem>>) src(%dma_wait3A_57 : memref<200xi32, #tpu.memory_space<hbm>>) dst(%arg10 : memref<200xi32, #tpu.memory_space<vmem>>)
    %dma_start3A_58 = arith.constant 0 : i32
    %dma_start3A_59 = arith.constant 0 : i32
    %dma_start3A_60 = tpu.memref_slice %arg3[%dma_start3A_58, %dma_start3A_59] : memref<100000x64xf32, #tpu.memory_space<hbm>> -> memref<100000x64xf32, #tpu.memory_space<hbm>>
    tpu.enqueue_indirect_dma source(%dma_start3A_60 : memref<100000x64xf32, #tpu.memory_space<hbm>>) target(%arg18 : memref<200x64xf32, #tpu.memory_space<vmem>>) offsets(%arg10 : memref<200xi32, #tpu.memory_space<vmem>>) semaphore(%arg34 : memref<!tpu.dma_semaphore, #tpu.memory_space<semaphore_mem>>)
    %scan3A = arith.constant 0 : i32
    %scan3A_61 = arith.constant 16 : i32
    %scan3A_62 = arith.addi %scan3A, %scan3A_61 : i32
    %scan3A_63 = arith.constant 1 : i32
    scf.for %scan3A_113 = %scan3A to %scan3A_62 step %scan3A_63  : i32 {
      %mul3A_114 = arith.constant 8 : i32
      %mul3A_115 = arith.muli %scan3A_113, %mul3A_114 : i32
      %add3A_116 = arith.constant 0 : i32
      %add3A_117 = arith.addi %add3A_116, %mul3A_115 : i32
      %add3A_118 = arith.constant 0 : i32
      %add3A_119 = arith.addi %add3A_117, %add3A_118 : i32
      %add3A_120 = arith.constant 4 : i32
      %add3A_121 = arith.addi %add3A_119, %add3A_120 : i32
      %lt3A = arith.constant 128 : i32
      %lt3A_122 = arith.cmpi slt, %add3A_121, %lt3A : i32
      %convert_element_type3A = arith.extui %lt3A_122 : i1 to i32
      %cond3A = arith.constant 0 : i32
      %cond3A_123 = arith.cmpi ne, %convert_element_type3A, %cond3A : i32
      scf.if %cond3A_123 {
        %add3A_363 = arith.constant 4 : i32
        %add3A_364 = arith.addi %add3A_119, %add3A_363 : i32
        %sub3A = arith.constant 8 : i32
        %sub3A_365 = arith.subi %add3A_364, %sub3A : i32
        %ge3A = arith.constant 0 : i32
        %ge3A_366 = arith.cmpi sge, %sub3A_365, %ge3A : i32
        %convert_element_type3A_367 = arith.extui %ge3A_366 : i1 to i32
        %cond3A_368 = arith.constant 0 : i32
        %cond3A_369 = arith.cmpi ne, %convert_element_type3A_367, %cond3A_368 : i32
        scf.if %cond3A_369 {
          %add3A_380 = arith.constant 4 : i32
          %add3A_381 = arith.addi %add3A_119, %add3A_380 : i32
          %sub3A_382 = arith.constant 8 : i32
          %sub3A_383 = arith.subi %add3A_381, %sub3A_382 : i32
          %mul3A_384 = arith.constant 200 : i32
          %mul3A_385 = arith.muli %sub3A_383, %mul3A_384 : i32
          %add3A_386 = arith.addi %mul3A_2, %mul3A_385 : i32
          %dma_wait3A_387 = arith.constant 0 : i32
          %dma_wait3A_388 = tpu.memref_slice %arg5[%add3A_386, %dma_wait3A_387] : memref<819200x64xf32, #tpu.memory_space<hbm>> -> memref<200x64xf32, #tpu.memory_space<hbm>>
          %dma_wait3A_389 = arith.constant 0 : i32
          %dma_wait3A_390 = tpu.memref_slice %arg5[%add3A_386, %dma_wait3A_389] : memref<819200x64xf32, #tpu.memory_space<hbm>> -> memref<200x64xf32, #tpu.memory_space<hbm>>
          tpu.wait_dma2 semaphore(%arg43 : memref<!tpu.dma_semaphore, #tpu.memory_space<semaphore_mem>>) src(%arg19 : memref<200x64xf32, #tpu.memory_space<vmem>>) dst(%dma_wait3A_390 : memref<200x64xf32, #tpu.memory_space<hbm>>)
        } else {
        }
        %add3A_370 = arith.constant 4 : i32
        %add3A_371 = arith.addi %add3A_119, %add3A_370 : i32
        %mul3A_372 = arith.constant 200 : i32
        %mul3A_373 = arith.muli %add3A_371, %mul3A_372 : i32
        %add3A_374 = arith.addi %mul3A_2, %mul3A_373 : i32
        %dma_wait3A_375 = tpu.memref_slice %arg2[%add3A_374] : memref<819200xi32, #tpu.memory_space<hbm>> -> memref<200xi32, #tpu.memory_space<hbm>>
        %dma_wait3A_376 = tpu.memref_slice %arg2[%add3A_374] : memref<819200xi32, #tpu.memory_space<hbm>> -> memref<200xi32, #tpu.memory_space<hbm>>
        tpu.wait_dma2 semaphore(%arg27 : memref<!tpu.dma_semaphore, #tpu.memory_space<semaphore_mem>>) src(%dma_wait3A_376 : memref<200xi32, #tpu.memory_space<hbm>>) dst(%arg11 : memref<200xi32, #tpu.memory_space<vmem>>)
        %dma_start3A_377 = arith.constant 0 : i32
        %dma_start3A_378 = arith.constant 0 : i32
        %dma_start3A_379 = tpu.memref_slice %arg3[%dma_start3A_377, %dma_start3A_378] : memref<100000x64xf32, #tpu.memory_space<hbm>> -> memref<100000x64xf32, #tpu.memory_space<hbm>>
        tpu.enqueue_indirect_dma source(%dma_start3A_379 : memref<100000x64xf32, #tpu.memory_space<hbm>>) target(%arg19 : memref<200x64xf32, #tpu.memory_space<vmem>>) offsets(%arg11 : memref<200xi32, #tpu.memory_space<vmem>>) semaphore(%arg35 : memref<!tpu.dma_semaphore, #tpu.memory_space<semaphore_mem>>)
      } else {
      }
      %dma_wait3A_124 = arith.constant 0 : i32
      %dma_wait3A_125 = arith.constant 0 : i32
      %dma_wait3A_126 = tpu.memref_slice %arg3[%dma_wait3A_124, %dma_wait3A_125] : memref<100000x64xf32, #tpu.memory_space<hbm>> -> memref<100000x64xf32, #tpu.memory_space<hbm>>
      tpu.wait_indirect_dma semaphore(%arg31 : memref<!tpu.dma_semaphore, #tpu.memory_space<semaphore_mem>>) src(%dma_wait3A_126 : memref<100000x64xf32, #tpu.memory_space<hbm>>) dst(%arg15 : memref<200x64xf32, #tpu.memory_space<vmem>>)
      %scan3A_127 = arith.constant 0 : i32
      %scan3A_128 = arith.constant 200 : i32
      %scan3A_129 = arith.addi %scan3A_127, %scan3A_128 : i32
      %scan3A_130 = arith.constant 1 : i32
      scf.for %scan3A_363 = %scan3A_127 to %scan3A_129 step %scan3A_130  : i32 {
        %mul3A_364 = arith.constant 1 : i32
        %mul3A_365 = arith.muli %scan3A_363, %mul3A_364 : i32
        %add3A_366 = arith.constant 0 : i32
        %add3A_367 = arith.addi %add3A_366, %mul3A_365 : i32
        %get3A = arith.index_cast %add3A_367 : i32 to index
        %get3A_368 = arith.constant 0 : index
        %get3A_369 = tpu.vector_load %arg6[%get3A, %get3A_368] {strides = array<i32>} : memref<200x64xf32, #tpu.memory_space<vmem>>, vector<1x16xf32>,
        %get3A_370 = vector.shape_cast %get3A_369 : vector<1x16xf32> to vector<16xf32>
        %get3A_371 = arith.index_cast %add3A_367 : i32 to index
        %get3A_372 = arith.constant 16 : index
        %get3A_373 = tpu.vector_load %arg6[%get3A_371, %get3A_372] {strides = array<i32>} : memref<200x64xf32, #tpu.memory_space<vmem>>, vector<1x16xf32>,
        %get3A_374 = vector.shape_cast %get3A_373 : vector<1x16xf32> to vector<16xf32>
        %get3A_375 = arith.index_cast %add3A_367 : i32 to index
        %get3A_376 = arith.constant 32 : index
        %get3A_377 = tpu.vector_load %arg6[%get3A_375, %get3A_376] {strides = array<i32>} : memref<200x64xf32, #tpu.memory_space<vmem>>, vector<1x16xf32>,
        %get3A_378 = vector.shape_cast %get3A_377 : vector<1x16xf32> to vector<16xf32>
        %get3A_379 = arith.index_cast %add3A_367 : i32 to index
        %get3A_380 = arith.constant 48 : index
        %get3A_381 = tpu.vector_load %arg6[%get3A_379, %get3A_380] {strides = array<i32>} : memref<200x64xf32, #tpu.memory_space<vmem>>, vector<1x16xf32>,
        %get3A_382 = vector.shape_cast %get3A_381 : vector<1x16xf32> to vector<16xf32>
        %swap3A = arith.index_cast %add3A_367 : i32 to index
        %swap3A_383 = arith.constant 0 : index
        %swap3A_384 = tpu.vector_load %arg15[%swap3A, %swap3A_383] {strides = array<i32>} : memref<200x64xf32, #tpu.memory_space<vmem>>, vector<1x16xf32>,
        %swap3A_385 = vector.shape_cast %swap3A_384 : vector<1x16xf32> to vector<16xf32>
        %swap3A_386 = vector.shape_cast %get3A_370 : vector<16xf32> to vector<1x16xf32>
        tpu.vector_store %arg15[%swap3A, %swap3A_383], %swap3A_386 {add = true, strides = array<i32>} : memref<200x64xf32, #tpu.memory_space<vmem>>, vector<1x16xf32>,
        %swap3A_387 = arith.index_cast %add3A_367 : i32 to index
        %swap3A_388 = arith.constant 16 : index
        %swap3A_389 = tpu.vector_load %arg15[%swap3A_387, %swap3A_388] {strides = array<i32>} : memref<200x64xf32, #tpu.memory_space<vmem>>, vector<1x16xf32>,
        %swap3A_390 = vector.shape_cast %swap3A_389 : vector<1x16xf32> to vector<16xf32>
        %swap3A_391 = vector.shape_cast %get3A_374 : vector<16xf32> to vector<1x16xf32>
        tpu.vector_store %arg15[%swap3A_387, %swap3A_388], %swap3A_391 {add = true, strides = array<i32>} : memref<200x64xf32, #tpu.memory_space<vmem>>, vector<1x16xf32>,
        %swap3A_392 = arith.index_cast %add3A_367 : i32 to index
        %swap3A_393 = arith.constant 32 : index
        %swap3A_394 = tpu.vector_load %arg15[%swap3A_392, %swap3A_393] {strides = array<i32>} : memref<200x64xf32, #tpu.memory_space<vmem>>, vector<1x16xf32>,
        %swap3A_395 = vector.shape_cast %swap3A_394 : vector<1x16xf32> to vector<16xf32>
        %swap3A_396 = vector.shape_cast %get3A_378 : vector<16xf32> to vector<1x16xf32>
        tpu.vector_store %arg15[%swap3A_392, %swap3A_393], %swap3A_396 {add = true, strides = array<i32>} : memref<200x64xf32, #tpu.memory_space<vmem>>, vector<1x16xf32>,
        %swap3A_397 = arith.index_cast %add3A_367 : i32 to index
        %swap3A_398 = arith.constant 48 : index
        %swap3A_399 = tpu.vector_load %arg15[%swap3A_397, %swap3A_398] {strides = array<i32>} : memref<200x64xf32, #tpu.memory_space<vmem>>, vector<1x16xf32>,
        %swap3A_400 = vector.shape_cast %swap3A_399 : vector<1x16xf32> to vector<16xf32>
        %swap3A_401 = vector.shape_cast %get3A_382 : vector<16xf32> to vector<1x16xf32>
        tpu.vector_store %arg15[%swap3A_397, %swap3A_398], %swap3A_401 {add = true, strides = array<i32>} : memref<200x64xf32, #tpu.memory_space<vmem>>, vector<1x16xf32>,
      }
      %scan3A_131 = arith.constant 200 : i32
      %mul3A_132 = arith.constant 200 : i32
      %mul3A_133 = arith.muli %add3A_119, %mul3A_132 : i32
      %add3A_134 = arith.addi %mul3A_2, %mul3A_133 : i32
      %dma_start3A_135 = arith.constant 0 : i32
      %dma_start3A_136 = tpu.memref_slice %arg5[%add3A_134, %dma_start3A_135] : memref<819200x64xf32, #tpu.memory_space<hbm>> -> memref<200x64xf32, #tpu.memory_space<hbm>>
      %dma_start3A_137 = arith.constant 0 : i32
      %dma_start3A_138 = tpu.memref_slice %arg5[%add3A_134, %dma_start3A_137] : memref<819200x64xf32, #tpu.memory_space<hbm>> -> memref<200x64xf32, #tpu.memory_space<hbm>>
      tpu.enqueue_dma source(%arg15 : memref<200x64xf32, #tpu.memory_space<vmem>>) target(%dma_start3A_138 : memref<200x64xf32, #tpu.memory_space<hbm>>) target_semaphore(%arg39 : memref<!tpu.dma_semaphore, #tpu.memory_space<semaphore_mem>>)
      %add3A_139 = arith.constant 8 : i32
      %add3A_140 = arith.addi %add3A_119, %add3A_139 : i32
      %lt3A_141 = arith.constant 128 : i32
      %lt3A_142 = arith.cmpi slt, %add3A_140, %lt3A_141 : i32
      %convert_element_type3A_143 = arith.extui %lt3A_142 : i1 to i32
      %cond3A_144 = arith.constant 0 : i32
      %cond3A_145 = arith.cmpi ne, %convert_element_type3A_143, %cond3A_144 : i32
      scf.if %cond3A_145 {
        %add3A_363 = arith.constant 8 : i32
        %add3A_364 = arith.addi %add3A_119, %add3A_363 : i32
        %mul3A_365 = arith.constant 200 : i32
        %mul3A_366 = arith.muli %add3A_364, %mul3A_365 : i32
        %add3A_367 = arith.addi %mul3A_2, %mul3A_366 : i32
        %dma_start3A_368 = tpu.memref_slice %arg2[%add3A_367] : memref<819200xi32, #tpu.memory_space<hbm>> -> memref<200xi32, #tpu.memory_space<hbm>>
        %dma_start3A_369 = tpu.memref_slice %arg2[%add3A_367] : memref<819200xi32, #tpu.memory_space<hbm>> -> memref<200xi32, #tpu.memory_space<hbm>>
        tpu.enqueue_dma source(%dma_start3A_369 : memref<200xi32, #tpu.memory_space<hbm>>) target(%arg7 : memref<200xi32, #tpu.memory_space<vmem>>) target_semaphore(%arg23 : memref<!tpu.dma_semaphore, #tpu.memory_space<semaphore_mem>>)
      } else {
      }
      %add3A_146 = arith.constant 1 : i32
      %add3A_147 = arith.addi %add3A_117, %add3A_146 : i32
      %add3A_148 = arith.constant 4 : i32
      %add3A_149 = arith.addi %add3A_147, %add3A_148 : i32
      %lt3A_150 = arith.constant 128 : i32
      %lt3A_151 = arith.cmpi slt, %add3A_149, %lt3A_150 : i32
      %convert_element_type3A_152 = arith.extui %lt3A_151 : i1 to i32
      %cond3A_153 = arith.constant 0 : i32
      %cond3A_154 = arith.cmpi ne, %convert_element_type3A_152, %cond3A_153 : i32
      scf.if %cond3A_154 {
        %add3A_363 = arith.constant 4 : i32
        %add3A_364 = arith.addi %add3A_147, %add3A_363 : i32
        %sub3A = arith.constant 8 : i32
        %sub3A_365 = arith.subi %add3A_364, %sub3A : i32
        %ge3A = arith.constant 0 : i32
        %ge3A_366 = arith.cmpi sge, %sub3A_365, %ge3A : i32
        %convert_element_type3A_367 = arith.extui %ge3A_366 : i1 to i32
        %cond3A_368 = arith.constant 0 : i32
        %cond3A_369 = arith.cmpi ne, %convert_element_type3A_367, %cond3A_368 : i32
        scf.if %cond3A_369 {
          %add3A_380 = arith.constant 4 : i32
          %add3A_381 = arith.addi %add3A_147, %add3A_380 : i32
          %sub3A_382 = arith.constant 8 : i32
          %sub3A_383 = arith.subi %add3A_381, %sub3A_382 : i32
          %mul3A_384 = arith.constant 200 : i32
          %mul3A_385 = arith.muli %sub3A_383, %mul3A_384 : i32
          %add3A_386 = arith.addi %mul3A_2, %mul3A_385 : i32
          %dma_wait3A_387 = arith.constant 0 : i32
          %dma_wait3A_388 = tpu.memref_slice %arg5[%add3A_386, %dma_wait3A_387] : memref<819200x64xf32, #tpu.memory_space<hbm>> -> memref<200x64xf32, #tpu.memory_space<hbm>>
          %dma_wait3A_389 = arith.constant 0 : i32
          %dma_wait3A_390 = tpu.memref_slice %arg5[%add3A_386, %dma_wait3A_389] : memref<819200x64xf32, #tpu.memory_space<hbm>> -> memref<200x64xf32, #tpu.memory_space<hbm>>
          tpu.wait_dma2 semaphore(%arg44 : memref<!tpu.dma_semaphore, #tpu.memory_space<semaphore_mem>>) src(%arg20 : memref<200x64xf32, #tpu.memory_space<vmem>>) dst(%dma_wait3A_390 : memref<200x64xf32, #tpu.memory_space<hbm>>)
        } else {
        }
        %add3A_370 = arith.constant 4 : i32
        %add3A_371 = arith.addi %add3A_147, %add3A_370 : i32
        %mul3A_372 = arith.constant 200 : i32
        %mul3A_373 = arith.muli %add3A_371, %mul3A_372 : i32
        %add3A_374 = arith.addi %mul3A_2, %mul3A_373 : i32
        %dma_wait3A_375 = tpu.memref_slice %arg2[%add3A_374] : memref<819200xi32, #tpu.memory_space<hbm>> -> memref<200xi32, #tpu.memory_space<hbm>>
        %dma_wait3A_376 = tpu.memref_slice %arg2[%add3A_374] : memref<819200xi32, #tpu.memory_space<hbm>> -> memref<200xi32, #tpu.memory_space<hbm>>
        tpu.wait_dma2 semaphore(%arg28 : memref<!tpu.dma_semaphore, #tpu.memory_space<semaphore_mem>>) src(%dma_wait3A_376 : memref<200xi32, #tpu.memory_space<hbm>>) dst(%arg12 : memref<200xi32, #tpu.memory_space<vmem>>)
        %dma_start3A_377 = arith.constant 0 : i32
        %dma_start3A_378 = arith.constant 0 : i32
        %dma_start3A_379 = tpu.memref_slice %arg3[%dma_start3A_377, %dma_start3A_378] : memref<100000x64xf32, #tpu.memory_space<hbm>> -> memref<100000x64xf32, #tpu.memory_space<hbm>>
        tpu.enqueue_indirect_dma source(%dma_start3A_379 : memref<100000x64xf32, #tpu.memory_space<hbm>>) target(%arg20 : memref<200x64xf32, #tpu.memory_space<vmem>>) offsets(%arg12 : memref<200xi32, #tpu.memory_space<vmem>>) semaphore(%arg36 : memref<!tpu.dma_semaphore, #tpu.memory_space<semaphore_mem>>)
      } else {
      }
      %dma_wait3A_155 = arith.constant 0 : i32
      %dma_wait3A_156 = arith.constant 0 : i32
      %dma_wait3A_157 = tpu.memref_slice %arg3[%dma_wait3A_155, %dma_wait3A_156] : memref<100000x64xf32, #tpu.memory_space<hbm>> -> memref<100000x64xf32, #tpu.memory_space<hbm>>
      tpu.wait_indirect_dma semaphore(%arg32 : memref<!tpu.dma_semaphore, #tpu.memory_space<semaphore_mem>>) src(%dma_wait3A_157 : memref<100000x64xf32, #tpu.memory_space<hbm>>) dst(%arg16 : memref<200x64xf32, #tpu.memory_space<vmem>>)
      %scan3A_158 = arith.constant 0 : i32
      %scan3A_159 = arith.constant 200 : i32
      %scan3A_160 = arith.addi %scan3A_158, %scan3A_159 : i32
      %scan3A_161 = arith.constant 1 : i32
      scf.for %scan3A_363 = %scan3A_158 to %scan3A_160 step %scan3A_161  : i32 {
        %mul3A_364 = arith.constant 1 : i32
        %mul3A_365 = arith.muli %scan3A_363, %mul3A_364 : i32
        %add3A_366 = arith.constant 0 : i32
        %add3A_367 = arith.addi %add3A_366, %mul3A_365 : i32
        %get3A = arith.index_cast %add3A_367 : i32 to index
        %get3A_368 = arith.constant 0 : index
        %get3A_369 = tpu.vector_load %arg6[%get3A, %get3A_368] {strides = array<i32>} : memref<200x64xf32, #tpu.memory_space<vmem>>, vector<1x16xf32>,
        %get3A_370 = vector.shape_cast %get3A_369 : vector<1x16xf32> to vector<16xf32>
        %get3A_371 = arith.index_cast %add3A_367 : i32 to index
        %get3A_372 = arith.constant 16 : index
        %get3A_373 = tpu.vector_load %arg6[%get3A_371, %get3A_372] {strides = array<i32>} : memref<200x64xf32, #tpu.memory_space<vmem>>, vector<1x16xf32>,
        %get3A_374 = vector.shape_cast %get3A_373 : vector<1x16xf32> to vector<16xf32>
        %get3A_375 = arith.index_cast %add3A_367 : i32 to index
        %get3A_376 = arith.constant 32 : index
        %get3A_377 = tpu.vector_load %arg6[%get3A_375, %get3A_376] {strides = array<i32>} : memref<200x64xf32, #tpu.memory_space<vmem>>, vector<1x16xf32>,
        %get3A_378 = vector.shape_cast %get3A_377 : vector<1x16xf32> to vector<16xf32>
        %get3A_379 = arith.index_cast %add3A_367 : i32 to index
        %get3A_380 = arith.constant 48 : index
        %get3A_381 = tpu.vector_load %arg6[%get3A_379, %get3A_380] {strides = array<i32>} : memref<200x64xf32, #tpu.memory_space<vmem>>, vector<1x16xf32>,
        %get3A_382 = vector.shape_cast %get3A_381 : vector<1x16xf32> to vector<16xf32>
        %swap3A = arith.index_cast %add3A_367 : i32 to index
        %swap3A_383 = arith.constant 0 : index
        %swap3A_384 = tpu.vector_load %arg16[%swap3A, %swap3A_383] {strides = array<i32>} : memref<200x64xf32, #tpu.memory_space<vmem>>, vector<1x16xf32>,
        %swap3A_385 = vector.shape_cast %swap3A_384 : vector<1x16xf32> to vector<16xf32>
        %swap3A_386 = vector.shape_cast %get3A_370 : vector<16xf32> to vector<1x16xf32>
        tpu.vector_store %arg16[%swap3A, %swap3A_383], %swap3A_386 {add = true, strides = array<i32>} : memref<200x64xf32, #tpu.memory_space<vmem>>, vector<1x16xf32>,
        %swap3A_387 = arith.index_cast %add3A_367 : i32 to index
        %swap3A_388 = arith.constant 16 : index
        %swap3A_389 = tpu.vector_load %arg16[%swap3A_387, %swap3A_388] {strides = array<i32>} : memref<200x64xf32, #tpu.memory_space<vmem>>, vector<1x16xf32>,
        %swap3A_390 = vector.shape_cast %swap3A_389 : vector<1x16xf32> to vector<16xf32>
        %swap3A_391 = vector.shape_cast %get3A_374 : vector<16xf32> to vector<1x16xf32>
        tpu.vector_store %arg16[%swap3A_387, %swap3A_388], %swap3A_391 {add = true, strides = array<i32>} : memref<200x64xf32, #tpu.memory_space<vmem>>, vector<1x16xf32>,
        %swap3A_392 = arith.index_cast %add3A_367 : i32 to index
        %swap3A_393 = arith.constant 32 : index
        %swap3A_394 = tpu.vector_load %arg16[%swap3A_392, %swap3A_393] {strides = array<i32>} : memref<200x64xf32, #tpu.memory_space<vmem>>, vector<1x16xf32>,
        %swap3A_395 = vector.shape_cast %swap3A_394 : vector<1x16xf32> to vector<16xf32>
        %swap3A_396 = vector.shape_cast %get3A_378 : vector<16xf32> to vector<1x16xf32>
        tpu.vector_store %arg16[%swap3A_392, %swap3A_393], %swap3A_396 {add = true, strides = array<i32>} : memref<200x64xf32, #tpu.memory_space<vmem>>, vector<1x16xf32>,
        %swap3A_397 = arith.index_cast %add3A_367 : i32 to index
        %swap3A_398 = arith.constant 48 : index
        %swap3A_399 = tpu.vector_load %arg16[%swap3A_397, %swap3A_398] {strides = array<i32>} : memref<200x64xf32, #tpu.memory_space<vmem>>, vector<1x16xf32>,
        %swap3A_400 = vector.shape_cast %swap3A_399 : vector<1x16xf32> to vector<16xf32>
        %swap3A_401 = vector.shape_cast %get3A_382 : vector<16xf32> to vector<1x16xf32>
        tpu.vector_store %arg16[%swap3A_397, %swap3A_398], %swap3A_401 {add = true, strides = array<i32>} : memref<200x64xf32, #tpu.memory_space<vmem>>, vector<1x16xf32>,
      }
      %scan3A_162 = arith.constant 200 : i32
      %mul3A_163 = arith.constant 200 : i32
      %mul3A_164 = arith.muli %add3A_147, %mul3A_163 : i32
      %add3A_165 = arith.addi %mul3A_2, %mul3A_164 : i32
      %dma_start3A_166 = arith.constant 0 : i32
      %dma_start3A_167 = tpu.memref_slice %arg5[%add3A_165, %dma_start3A_166] : memref<819200x64xf32, #tpu.memory_space<hbm>> -> memref<200x64xf32, #tpu.memory_space<hbm>>
      %dma_start3A_168 = arith.constant 0 : i32
      %dma_start3A_169 = tpu.memref_slice %arg5[%add3A_165, %dma_start3A_168] : memref<819200x64xf32, #tpu.memory_space<hbm>> -> memref<200x64xf32, #tpu.memory_space<hbm>>
      tpu.enqueue_dma source(%arg16 : memref<200x64xf32, #tpu.memory_space<vmem>>) target(%dma_start3A_169 : memref<200x64xf32, #tpu.memory_space<hbm>>) target_semaphore(%arg40 : memref<!tpu.dma_semaphore, #tpu.memory_space<semaphore_mem>>)
      %add3A_170 = arith.constant 8 : i32
      %add3A_171 = arith.addi %add3A_147, %add3A_170 : i32
      %lt3A_172 = arith.constant 128 : i32
      %lt3A_173 = arith.cmpi slt, %add3A_171, %lt3A_172 : i32
      %convert_element_type3A_174 = arith.extui %lt3A_173 : i1 to i32
      %cond3A_175 = arith.constant 0 : i32
      %cond3A_176 = arith.cmpi ne, %convert_element_type3A_174, %cond3A_175 : i32
      scf.if %cond3A_176 {
        %add3A_363 = arith.constant 8 : i32
        %add3A_364 = arith.addi %add3A_147, %add3A_363 : i32
        %mul3A_365 = arith.constant 200 : i32
        %mul3A_366 = arith.muli %add3A_364, %mul3A_365 : i32
        %add3A_367 = arith.addi %mul3A_2, %mul3A_366 : i32
        %dma_start3A_368 = tpu.memref_slice %arg2[%add3A_367] : memref<819200xi32, #tpu.memory_space<hbm>> -> memref<200xi32, #tpu.memory_space<hbm>>
        %dma_start3A_369 = tpu.memref_slice %arg2[%add3A_367] : memref<819200xi32, #tpu.memory_space<hbm>> -> memref<200xi32, #tpu.memory_space<hbm>>
        tpu.enqueue_dma source(%dma_start3A_369 : memref<200xi32, #tpu.memory_space<hbm>>) target(%arg8 : memref<200xi32, #tpu.memory_space<vmem>>) target_semaphore(%arg24 : memref<!tpu.dma_semaphore, #tpu.memory_space<semaphore_mem>>)
      } else {
      }
      %add3A_177 = arith.constant 2 : i32
      %add3A_178 = arith.addi %add3A_117, %add3A_177 : i32
      %add3A_179 = arith.constant 4 : i32
      %add3A_180 = arith.addi %add3A_178, %add3A_179 : i32
      %lt3A_181 = arith.constant 128 : i32
      %lt3A_182 = arith.cmpi slt, %add3A_180, %lt3A_181 : i32
      %convert_element_type3A_183 = arith.extui %lt3A_182 : i1 to i32
      %cond3A_184 = arith.constant 0 : i32
      %cond3A_185 = arith.cmpi ne, %convert_element_type3A_183, %cond3A_184 : i32
      scf.if %cond3A_185 {
        %add3A_363 = arith.constant 4 : i32
        %add3A_364 = arith.addi %add3A_178, %add3A_363 : i32
        %sub3A = arith.constant 8 : i32
        %sub3A_365 = arith.subi %add3A_364, %sub3A : i32
        %ge3A = arith.constant 0 : i32
        %ge3A_366 = arith.cmpi sge, %sub3A_365, %ge3A : i32
        %convert_element_type3A_367 = arith.extui %ge3A_366 : i1 to i32
        %cond3A_368 = arith.constant 0 : i32
        %cond3A_369 = arith.cmpi ne, %convert_element_type3A_367, %cond3A_368 : i32
        scf.if %cond3A_369 {
          %add3A_380 = arith.constant 4 : i32
          %add3A_381 = arith.addi %add3A_178, %add3A_380 : i32
          %sub3A_382 = arith.constant 8 : i32
          %sub3A_383 = arith.subi %add3A_381, %sub3A_382 : i32
          %mul3A_384 = arith.constant 200 : i32
          %mul3A_385 = arith.muli %sub3A_383, %mul3A_384 : i32
          %add3A_386 = arith.addi %mul3A_2, %mul3A_385 : i32
          %dma_wait3A_387 = arith.constant 0 : i32
          %dma_wait3A_388 = tpu.memref_slice %arg5[%add3A_386, %dma_wait3A_387] : memref<819200x64xf32, #tpu.memory_space<hbm>> -> memref<200x64xf32, #tpu.memory_space<hbm>>
          %dma_wait3A_389 = arith.constant 0 : i32
          %dma_wait3A_390 = tpu.memref_slice %arg5[%add3A_386, %dma_wait3A_389] : memref<819200x64xf32, #tpu.memory_space<hbm>> -> memref<200x64xf32, #tpu.memory_space<hbm>>
          tpu.wait_dma2 semaphore(%arg45 : memref<!tpu.dma_semaphore, #tpu.memory_space<semaphore_mem>>) src(%arg21 : memref<200x64xf32, #tpu.memory_space<vmem>>) dst(%dma_wait3A_390 : memref<200x64xf32, #tpu.memory_space<hbm>>)
        } else {
        }
        %add3A_370 = arith.constant 4 : i32
        %add3A_371 = arith.addi %add3A_178, %add3A_370 : i32
        %mul3A_372 = arith.constant 200 : i32
        %mul3A_373 = arith.muli %add3A_371, %mul3A_372 : i32
        %add3A_374 = arith.addi %mul3A_2, %mul3A_373 : i32
        %dma_wait3A_375 = tpu.memref_slice %arg2[%add3A_374] : memref<819200xi32, #tpu.memory_space<hbm>> -> memref<200xi32, #tpu.memory_space<hbm>>
        %dma_wait3A_376 = tpu.memref_slice %arg2[%add3A_374] : memref<819200xi32, #tpu.memory_space<hbm>> -> memref<200xi32, #tpu.memory_space<hbm>>
        tpu.wait_dma2 semaphore(%arg29 : memref<!tpu.dma_semaphore, #tpu.memory_space<semaphore_mem>>) src(%dma_wait3A_376 : memref<200xi32, #tpu.memory_space<hbm>>) dst(%arg13 : memref<200xi32, #tpu.memory_space<vmem>>)
        %dma_start3A_377 = arith.constant 0 : i32
        %dma_start3A_378 = arith.constant 0 : i32
        %dma_start3A_379 = tpu.memref_slice %arg3[%dma_start3A_377, %dma_start3A_378] : memref<100000x64xf32, #tpu.memory_space<hbm>> -> memref<100000x64xf32, #tpu.memory_space<hbm>>
        tpu.enqueue_indirect_dma source(%dma_start3A_379 : memref<100000x64xf32, #tpu.memory_space<hbm>>) target(%arg21 : memref<200x64xf32, #tpu.memory_space<vmem>>) offsets(%arg13 : memref<200xi32, #tpu.memory_space<vmem>>) semaphore(%arg37 : memref<!tpu.dma_semaphore, #tpu.memory_space<semaphore_mem>>)
      } else {
      }
      %dma_wait3A_186 = arith.constant 0 : i32
      %dma_wait3A_187 = arith.constant 0 : i32
      %dma_wait3A_188 = tpu.memref_slice %arg3[%dma_wait3A_186, %dma_wait3A_187] : memref<100000x64xf32, #tpu.memory_space<hbm>> -> memref<100000x64xf32, #tpu.memory_space<hbm>>
      tpu.wait_indirect_dma semaphore(%arg33 : memref<!tpu.dma_semaphore, #tpu.memory_space<semaphore_mem>>) src(%dma_wait3A_188 : memref<100000x64xf32, #tpu.memory_space<hbm>>) dst(%arg17 : memref<200x64xf32, #tpu.memory_space<vmem>>)
      %scan3A_189 = arith.constant 0 : i32
      %scan3A_190 = arith.constant 200 : i32
      %scan3A_191 = arith.addi %scan3A_189, %scan3A_190 : i32
      %scan3A_192 = arith.constant 1 : i32
      scf.for %scan3A_363 = %scan3A_189 to %scan3A_191 step %scan3A_192  : i32 {
        %mul3A_364 = arith.constant 1 : i32
        %mul3A_365 = arith.muli %scan3A_363, %mul3A_364 : i32
        %add3A_366 = arith.constant 0 : i32
        %add3A_367 = arith.addi %add3A_366, %mul3A_365 : i32
        %get3A = arith.index_cast %add3A_367 : i32 to index
        %get3A_368 = arith.constant 0 : index
        %get3A_369 = tpu.vector_load %arg6[%get3A, %get3A_368] {strides = array<i32>} : memref<200x64xf32, #tpu.memory_space<vmem>>, vector<1x16xf32>,
        %get3A_370 = vector.shape_cast %get3A_369 : vector<1x16xf32> to vector<16xf32>
        %get3A_371 = arith.index_cast %add3A_367 : i32 to index
        %get3A_372 = arith.constant 16 : index
        %get3A_373 = tpu.vector_load %arg6[%get3A_371, %get3A_372] {strides = array<i32>} : memref<200x64xf32, #tpu.memory_space<vmem>>, vector<1x16xf32>,
        %get3A_374 = vector.shape_cast %get3A_373 : vector<1x16xf32> to vector<16xf32>
        %get3A_375 = arith.index_cast %add3A_367 : i32 to index
        %get3A_376 = arith.constant 32 : index
        %get3A_377 = tpu.vector_load %arg6[%get3A_375, %get3A_376] {strides = array<i32>} : memref<200x64xf32, #tpu.memory_space<vmem>>, vector<1x16xf32>,
        %get3A_378 = vector.shape_cast %get3A_377 : vector<1x16xf32> to vector<16xf32>
        %get3A_379 = arith.index_cast %add3A_367 : i32 to index
        %get3A_380 = arith.constant 48 : index
        %get3A_381 = tpu.vector_load %arg6[%get3A_379, %get3A_380] {strides = array<i32>} : memref<200x64xf32, #tpu.memory_space<vmem>>, vector<1x16xf32>,
        %get3A_382 = vector.shape_cast %get3A_381 : vector<1x16xf32> to vector<16xf32>
        %swap3A = arith.index_cast %add3A_367 : i32 to index
        %swap3A_383 = arith.constant 0 : index
        %swap3A_384 = tpu.vector_load %arg17[%swap3A, %swap3A_383] {strides = array<i32>} : memref<200x64xf32, #tpu.memory_space<vmem>>, vector<1x16xf32>,
        %swap3A_385 = vector.shape_cast %swap3A_384 : vector<1x16xf32> to vector<16xf32>
        %swap3A_386 = vector.shape_cast %get3A_370 : vector<16xf32> to vector<1x16xf32>
        tpu.vector_store %arg17[%swap3A, %swap3A_383], %swap3A_386 {add = true, strides = array<i32>} : memref<200x64xf32, #tpu.memory_space<vmem>>, vector<1x16xf32>,
        %swap3A_387 = arith.index_cast %add3A_367 : i32 to index
        %swap3A_388 = arith.constant 16 : index
        %swap3A_389 = tpu.vector_load %arg17[%swap3A_387, %swap3A_388] {strides = array<i32>} : memref<200x64xf32, #tpu.memory_space<vmem>>, vector<1x16xf32>,
        %swap3A_390 = vector.shape_cast %swap3A_389 : vector<1x16xf32> to vector<16xf32>
        %swap3A_391 = vector.shape_cast %get3A_374 : vector<16xf32> to vector<1x16xf32>
        tpu.vector_store %arg17[%swap3A_387, %swap3A_388], %swap3A_391 {add = true, strides = array<i32>} : memref<200x64xf32, #tpu.memory_space<vmem>>, vector<1x16xf32>,
        %swap3A_392 = arith.index_cast %add3A_367 : i32 to index
        %swap3A_393 = arith.constant 32 : index
        %swap3A_394 = tpu.vector_load %arg17[%swap3A_392, %swap3A_393] {strides = array<i32>} : memref<200x64xf32, #tpu.memory_space<vmem>>, vector<1x16xf32>,
        %swap3A_395 = vector.shape_cast %swap3A_394 : vector<1x16xf32> to vector<16xf32>
        %swap3A_396 = vector.shape_cast %get3A_378 : vector<16xf32> to vector<1x16xf32>
        tpu.vector_store %arg17[%swap3A_392, %swap3A_393], %swap3A_396 {add = true, strides = array<i32>} : memref<200x64xf32, #tpu.memory_space<vmem>>, vector<1x16xf32>,
        %swap3A_397 = arith.index_cast %add3A_367 : i32 to index
        %swap3A_398 = arith.constant 48 : index
        %swap3A_399 = tpu.vector_load %arg17[%swap3A_397, %swap3A_398] {strides = array<i32>} : memref<200x64xf32, #tpu.memory_space<vmem>>, vector<1x16xf32>,
        %swap3A_400 = vector.shape_cast %swap3A_399 : vector<1x16xf32> to vector<16xf32>
        %swap3A_401 = vector.shape_cast %get3A_382 : vector<16xf32> to vector<1x16xf32>
        tpu.vector_store %arg17[%swap3A_397, %swap3A_398], %swap3A_401 {add = true, strides = array<i32>} : memref<200x64xf32, #tpu.memory_space<vmem>>, vector<1x16xf32>,
      }
      %scan3A_193 = arith.constant 200 : i32
      %mul3A_194 = arith.constant 200 : i32
      %mul3A_195 = arith.muli %add3A_178, %mul3A_194 : i32
      %add3A_196 = arith.addi %mul3A_2, %mul3A_195 : i32
      %dma_start3A_197 = arith.constant 0 : i32
      %dma_start3A_198 = tpu.memref_slice %arg5[%add3A_196, %dma_start3A_197] : memref<819200x64xf32, #tpu.memory_space<hbm>> -> memref<200x64xf32, #tpu.memory_space<hbm>>
      %dma_start3A_199 = arith.constant 0 : i32
      %dma_start3A_200 = tpu.memref_slice %arg5[%add3A_196, %dma_start3A_199] : memref<819200x64xf32, #tpu.memory_space<hbm>> -> memref<200x64xf32, #tpu.memory_space<hbm>>
      tpu.enqueue_dma source(%arg17 : memref<200x64xf32, #tpu.memory_space<vmem>>) target(%dma_start3A_200 : memref<200x64xf32, #tpu.memory_space<hbm>>) target_semaphore(%arg41 : memref<!tpu.dma_semaphore, #tpu.memory_space<semaphore_mem>>)
      %add3A_201 = arith.constant 8 : i32
      %add3A_202 = arith.addi %add3A_178, %add3A_201 : i32
      %lt3A_203 = arith.constant 128 : i32
      %lt3A_204 = arith.cmpi slt, %add3A_202, %lt3A_203 : i32
      %convert_element_type3A_205 = arith.extui %lt3A_204 : i1 to i32
      %cond3A_206 = arith.constant 0 : i32
      %cond3A_207 = arith.cmpi ne, %convert_element_type3A_205, %cond3A_206 : i32
      scf.if %cond3A_207 {
        %add3A_363 = arith.constant 8 : i32
        %add3A_364 = arith.addi %add3A_178, %add3A_363 : i32
        %mul3A_365 = arith.constant 200 : i32
        %mul3A_366 = arith.muli %add3A_364, %mul3A_365 : i32
        %add3A_367 = arith.addi %mul3A_2, %mul3A_366 : i32
        %dma_start3A_368 = tpu.memref_slice %arg2[%add3A_367] : memref<819200xi32, #tpu.memory_space<hbm>> -> memref<200xi32, #tpu.memory_space<hbm>>
        %dma_start3A_369 = tpu.memref_slice %arg2[%add3A_367] : memref<819200xi32, #tpu.memory_space<hbm>> -> memref<200xi32, #tpu.memory_space<hbm>>
        tpu.enqueue_dma source(%dma_start3A_369 : memref<200xi32, #tpu.memory_space<hbm>>) target(%arg9 : memref<200xi32, #tpu.memory_space<vmem>>) target_semaphore(%arg25 : memref<!tpu.dma_semaphore, #tpu.memory_space<semaphore_mem>>)
      } else {
      }
      %add3A_208 = arith.constant 3 : i32
      %add3A_209 = arith.addi %add3A_117, %add3A_208 : i32
      %add3A_210 = arith.constant 4 : i32
      %add3A_211 = arith.addi %add3A_209, %add3A_210 : i32
      %lt3A_212 = arith.constant 128 : i32
      %lt3A_213 = arith.cmpi slt, %add3A_211, %lt3A_212 : i32
      %convert_element_type3A_214 = arith.extui %lt3A_213 : i1 to i32
      %cond3A_215 = arith.constant 0 : i32
      %cond3A_216 = arith.cmpi ne, %convert_element_type3A_214, %cond3A_215 : i32
      scf.if %cond3A_216 {
        %add3A_363 = arith.constant 4 : i32
        %add3A_364 = arith.addi %add3A_209, %add3A_363 : i32
        %sub3A = arith.constant 8 : i32
        %sub3A_365 = arith.subi %add3A_364, %sub3A : i32
        %ge3A = arith.constant 0 : i32
        %ge3A_366 = arith.cmpi sge, %sub3A_365, %ge3A : i32
        %convert_element_type3A_367 = arith.extui %ge3A_366 : i1 to i32
        %cond3A_368 = arith.constant 0 : i32
        %cond3A_369 = arith.cmpi ne, %convert_element_type3A_367, %cond3A_368 : i32
        scf.if %cond3A_369 {
          %add3A_380 = arith.constant 4 : i32
          %add3A_381 = arith.addi %add3A_209, %add3A_380 : i32
          %sub3A_382 = arith.constant 8 : i32
          %sub3A_383 = arith.subi %add3A_381, %sub3A_382 : i32
          %mul3A_384 = arith.constant 200 : i32
          %mul3A_385 = arith.muli %sub3A_383, %mul3A_384 : i32
          %add3A_386 = arith.addi %mul3A_2, %mul3A_385 : i32
          %dma_wait3A_387 = arith.constant 0 : i32
          %dma_wait3A_388 = tpu.memref_slice %arg5[%add3A_386, %dma_wait3A_387] : memref<819200x64xf32, #tpu.memory_space<hbm>> -> memref<200x64xf32, #tpu.memory_space<hbm>>
          %dma_wait3A_389 = arith.constant 0 : i32
          %dma_wait3A_390 = tpu.memref_slice %arg5[%add3A_386, %dma_wait3A_389] : memref<819200x64xf32, #tpu.memory_space<hbm>> -> memref<200x64xf32, #tpu.memory_space<hbm>>
          tpu.wait_dma2 semaphore(%arg46 : memref<!tpu.dma_semaphore, #tpu.memory_space<semaphore_mem>>) src(%arg22 : memref<200x64xf32, #tpu.memory_space<vmem>>) dst(%dma_wait3A_390 : memref<200x64xf32, #tpu.memory_space<hbm>>)
        } else {
        }
        %add3A_370 = arith.constant 4 : i32
        %add3A_371 = arith.addi %add3A_209, %add3A_370 : i32
        %mul3A_372 = arith.constant 200 : i32
        %mul3A_373 = arith.muli %add3A_371, %mul3A_372 : i32
        %add3A_374 = arith.addi %mul3A_2, %mul3A_373 : i32
        %dma_wait3A_375 = tpu.memref_slice %arg2[%add3A_374] : memref<819200xi32, #tpu.memory_space<hbm>> -> memref<200xi32, #tpu.memory_space<hbm>>
        %dma_wait3A_376 = tpu.memref_slice %arg2[%add3A_374] : memref<819200xi32, #tpu.memory_space<hbm>> -> memref<200xi32, #tpu.memory_space<hbm>>
        tpu.wait_dma2 semaphore(%arg30 : memref<!tpu.dma_semaphore, #tpu.memory_space<semaphore_mem>>) src(%dma_wait3A_376 : memref<200xi32, #tpu.memory_space<hbm>>) dst(%arg14 : memref<200xi32, #tpu.memory_space<vmem>>)
        %dma_start3A_377 = arith.constant 0 : i32
        %dma_start3A_378 = arith.constant 0 : i32
        %dma_start3A_379 = tpu.memref_slice %arg3[%dma_start3A_377, %dma_start3A_378] : memref<100000x64xf32, #tpu.memory_space<hbm>> -> memref<100000x64xf32, #tpu.memory_space<hbm>>
        tpu.enqueue_indirect_dma source(%dma_start3A_379 : memref<100000x64xf32, #tpu.memory_space<hbm>>) target(%arg22 : memref<200x64xf32, #tpu.memory_space<vmem>>) offsets(%arg14 : memref<200xi32, #tpu.memory_space<vmem>>) semaphore(%arg38 : memref<!tpu.dma_semaphore, #tpu.memory_space<semaphore_mem>>)
      } else {
      }
      %dma_wait3A_217 = arith.constant 0 : i32
      %dma_wait3A_218 = arith.constant 0 : i32
      %dma_wait3A_219 = tpu.memref_slice %arg3[%dma_wait3A_217, %dma_wait3A_218] : memref<100000x64xf32, #tpu.memory_space<hbm>> -> memref<100000x64xf32, #tpu.memory_space<hbm>>
      tpu.wait_indirect_dma semaphore(%arg34 : memref<!tpu.dma_semaphore, #tpu.memory_space<semaphore_mem>>) src(%dma_wait3A_219 : memref<100000x64xf32, #tpu.memory_space<hbm>>) dst(%arg18 : memref<200x64xf32, #tpu.memory_space<vmem>>)
      %scan3A_220 = arith.constant 0 : i32
      %scan3A_221 = arith.constant 200 : i32
      %scan3A_222 = arith.addi %scan3A_220, %scan3A_221 : i32
      %scan3A_223 = arith.constant 1 : i32
      scf.for %scan3A_363 = %scan3A_220 to %scan3A_222 step %scan3A_223  : i32 {
        %mul3A_364 = arith.constant 1 : i32
        %mul3A_365 = arith.muli %scan3A_363, %mul3A_364 : i32
        %add3A_366 = arith.constant 0 : i32
        %add3A_367 = arith.addi %add3A_366, %mul3A_365 : i32
        %get3A = arith.index_cast %add3A_367 : i32 to index
        %get3A_368 = arith.constant 0 : index
        %get3A_369 = tpu.vector_load %arg6[%get3A, %get3A_368] {strides = array<i32>} : memref<200x64xf32, #tpu.memory_space<vmem>>, vector<1x16xf32>,
        %get3A_370 = vector.shape_cast %get3A_369 : vector<1x16xf32> to vector<16xf32>
        %get3A_371 = arith.index_cast %add3A_367 : i32 to index
        %get3A_372 = arith.constant 16 : index
        %get3A_373 = tpu.vector_load %arg6[%get3A_371, %get3A_372] {strides = array<i32>} : memref<200x64xf32, #tpu.memory_space<vmem>>, vector<1x16xf32>,
        %get3A_374 = vector.shape_cast %get3A_373 : vector<1x16xf32> to vector<16xf32>
        %get3A_375 = arith.index_cast %add3A_367 : i32 to index
        %get3A_376 = arith.constant 32 : index
        %get3A_377 = tpu.vector_load %arg6[%get3A_375, %get3A_376] {strides = array<i32>} : memref<200x64xf32, #tpu.memory_space<vmem>>, vector<1x16xf32>,
        %get3A_378 = vector.shape_cast %get3A_377 : vector<1x16xf32> to vector<16xf32>
        %get3A_379 = arith.index_cast %add3A_367 : i32 to index
        %get3A_380 = arith.constant 48 : index
        %get3A_381 = tpu.vector_load %arg6[%get3A_379, %get3A_380] {strides = array<i32>} : memref<200x64xf32, #tpu.memory_space<vmem>>, vector<1x16xf32>,
        %get3A_382 = vector.shape_cast %get3A_381 : vector<1x16xf32> to vector<16xf32>
        %swap3A = arith.index_cast %add3A_367 : i32 to index
        %swap3A_383 = arith.constant 0 : index
        %swap3A_384 = tpu.vector_load %arg18[%swap3A, %swap3A_383] {strides = array<i32>} : memref<200x64xf32, #tpu.memory_space<vmem>>, vector<1x16xf32>,
        %swap3A_385 = vector.shape_cast %swap3A_384 : vector<1x16xf32> to vector<16xf32>
        %swap3A_386 = vector.shape_cast %get3A_370 : vector<16xf32> to vector<1x16xf32>
        tpu.vector_store %arg18[%swap3A, %swap3A_383], %swap3A_386 {add = true, strides = array<i32>} : memref<200x64xf32, #tpu.memory_space<vmem>>, vector<1x16xf32>,
        %swap3A_387 = arith.index_cast %add3A_367 : i32 to index
        %swap3A_388 = arith.constant 16 : index
        %swap3A_389 = tpu.vector_load %arg18[%swap3A_387, %swap3A_388] {strides = array<i32>} : memref<200x64xf32, #tpu.memory_space<vmem>>, vector<1x16xf32>,
        %swap3A_390 = vector.shape_cast %swap3A_389 : vector<1x16xf32> to vector<16xf32>
        %swap3A_391 = vector.shape_cast %get3A_374 : vector<16xf32> to vector<1x16xf32>
        tpu.vector_store %arg18[%swap3A_387, %swap3A_388], %swap3A_391 {add = true, strides = array<i32>} : memref<200x64xf32, #tpu.memory_space<vmem>>, vector<1x16xf32>,
        %swap3A_392 = arith.index_cast %add3A_367 : i32 to index
        %swap3A_393 = arith.constant 32 : index
        %swap3A_394 = tpu.vector_load %arg18[%swap3A_392, %swap3A_393] {strides = array<i32>} : memref<200x64xf32, #tpu.memory_space<vmem>>, vector<1x16xf32>,
        %swap3A_395 = vector.shape_cast %swap3A_394 : vector<1x16xf32> to vector<16xf32>
        %swap3A_396 = vector.shape_cast %get3A_378 : vector<16xf32> to vector<1x16xf32>
        tpu.vector_store %arg18[%swap3A_392, %swap3A_393], %swap3A_396 {add = true, strides = array<i32>} : memref<200x64xf32, #tpu.memory_space<vmem>>, vector<1x16xf32>,
        %swap3A_397 = arith.index_cast %add3A_367 : i32 to index
        %swap3A_398 = arith.constant 48 : index
        %swap3A_399 = tpu.vector_load %arg18[%swap3A_397, %swap3A_398] {strides = array<i32>} : memref<200x64xf32, #tpu.memory_space<vmem>>, vector<1x16xf32>,
        %swap3A_400 = vector.shape_cast %swap3A_399 : vector<1x16xf32> to vector<16xf32>
        %swap3A_401 = vector.shape_cast %get3A_382 : vector<16xf32> to vector<1x16xf32>
        tpu.vector_store %arg18[%swap3A_397, %swap3A_398], %swap3A_401 {add = true, strides = array<i32>} : memref<200x64xf32, #tpu.memory_space<vmem>>, vector<1x16xf32>,
      }
      %scan3A_224 = arith.constant 200 : i32
      %mul3A_225 = arith.constant 200 : i32
      %mul3A_226 = arith.muli %add3A_209, %mul3A_225 : i32
      %add3A_227 = arith.addi %mul3A_2, %mul3A_226 : i32
      %dma_start3A_228 = arith.constant 0 : i32
      %dma_start3A_229 = tpu.memref_slice %arg5[%add3A_227, %dma_start3A_228] : memref<819200x64xf32, #tpu.memory_space<hbm>> -> memref<200x64xf32, #tpu.memory_space<hbm>>
      %dma_start3A_230 = arith.constant 0 : i32
      %dma_start3A_231 = tpu.memref_slice %arg5[%add3A_227, %dma_start3A_230] : memref<819200x64xf32, #tpu.memory_space<hbm>> -> memref<200x64xf32, #tpu.memory_space<hbm>>
      tpu.enqueue_dma source(%arg18 : memref<200x64xf32, #tpu.memory_space<vmem>>) target(%dma_start3A_231 : memref<200x64xf32, #tpu.memory_space<hbm>>) target_semaphore(%arg42 : memref<!tpu.dma_semaphore, #tpu.memory_space<semaphore_mem>>)
      %add3A_232 = arith.constant 8 : i32
      %add3A_233 = arith.addi %add3A_209, %add3A_232 : i32
      %lt3A_234 = arith.constant 128 : i32
      %lt3A_235 = arith.cmpi slt, %add3A_233, %lt3A_234 : i32
      %convert_element_type3A_236 = arith.extui %lt3A_235 : i1 to i32
      %cond3A_237 = arith.constant 0 : i32
      %cond3A_238 = arith.cmpi ne, %convert_element_type3A_236, %cond3A_237 : i32
      scf.if %cond3A_238 {
        %add3A_363 = arith.constant 8 : i32
        %add3A_364 = arith.addi %add3A_209, %add3A_363 : i32
        %mul3A_365 = arith.constant 200 : i32
        %mul3A_366 = arith.muli %add3A_364, %mul3A_365 : i32
        %add3A_367 = arith.addi %mul3A_2, %mul3A_366 : i32
        %dma_start3A_368 = tpu.memref_slice %arg2[%add3A_367] : memref<819200xi32, #tpu.memory_space<hbm>> -> memref<200xi32, #tpu.memory_space<hbm>>
        %dma_start3A_369 = tpu.memref_slice %arg2[%add3A_367] : memref<819200xi32, #tpu.memory_space<hbm>> -> memref<200xi32, #tpu.memory_space<hbm>>
        tpu.enqueue_dma source(%dma_start3A_369 : memref<200xi32, #tpu.memory_space<hbm>>) target(%arg10 : memref<200xi32, #tpu.memory_space<vmem>>) target_semaphore(%arg26 : memref<!tpu.dma_semaphore, #tpu.memory_space<semaphore_mem>>)
      } else {
      }
      %add3A_239 = arith.constant 4 : i32
      %add3A_240 = arith.addi %add3A_117, %add3A_239 : i32
      %add3A_241 = arith.constant 4 : i32
      %add3A_242 = arith.addi %add3A_240, %add3A_241 : i32
      %lt3A_243 = arith.constant 128 : i32
      %lt3A_244 = arith.cmpi slt, %add3A_242, %lt3A_243 : i32
      %convert_element_type3A_245 = arith.extui %lt3A_244 : i1 to i32
      %cond3A_246 = arith.constant 0 : i32
      %cond3A_247 = arith.cmpi ne, %convert_element_type3A_245, %cond3A_246 : i32
      scf.if %cond3A_247 {
        %add3A_363 = arith.constant 4 : i32
        %add3A_364 = arith.addi %add3A_240, %add3A_363 : i32
        %sub3A = arith.constant 8 : i32
        %sub3A_365 = arith.subi %add3A_364, %sub3A : i32
        %ge3A = arith.constant 0 : i32
        %ge3A_366 = arith.cmpi sge, %sub3A_365, %ge3A : i32
        %convert_element_type3A_367 = arith.extui %ge3A_366 : i1 to i32
        %cond3A_368 = arith.constant 0 : i32
        %cond3A_369 = arith.cmpi ne, %convert_element_type3A_367, %cond3A_368 : i32
        scf.if %cond3A_369 {
          %add3A_380 = arith.constant 4 : i32
          %add3A_381 = arith.addi %add3A_240, %add3A_380 : i32
          %sub3A_382 = arith.constant 8 : i32
          %sub3A_383 = arith.subi %add3A_381, %sub3A_382 : i32
          %mul3A_384 = arith.constant 200 : i32
          %mul3A_385 = arith.muli %sub3A_383, %mul3A_384 : i32
          %add3A_386 = arith.addi %mul3A_2, %mul3A_385 : i32
          %dma_wait3A_387 = arith.constant 0 : i32
          %dma_wait3A_388 = tpu.memref_slice %arg5[%add3A_386, %dma_wait3A_387] : memref<819200x64xf32, #tpu.memory_space<hbm>> -> memref<200x64xf32, #tpu.memory_space<hbm>>
          %dma_wait3A_389 = arith.constant 0 : i32
          %dma_wait3A_390 = tpu.memref_slice %arg5[%add3A_386, %dma_wait3A_389] : memref<819200x64xf32, #tpu.memory_space<hbm>> -> memref<200x64xf32, #tpu.memory_space<hbm>>
          tpu.wait_dma2 semaphore(%arg39 : memref<!tpu.dma_semaphore, #tpu.memory_space<semaphore_mem>>) src(%arg15 : memref<200x64xf32, #tpu.memory_space<vmem>>) dst(%dma_wait3A_390 : memref<200x64xf32, #tpu.memory_space<hbm>>)
        } else {
        }
        %add3A_370 = arith.constant 4 : i32
        %add3A_371 = arith.addi %add3A_240, %add3A_370 : i32
        %mul3A_372 = arith.constant 200 : i32
        %mul3A_373 = arith.muli %add3A_371, %mul3A_372 : i32
        %add3A_374 = arith.addi %mul3A_2, %mul3A_373 : i32
        %dma_wait3A_375 = tpu.memref_slice %arg2[%add3A_374] : memref<819200xi32, #tpu.memory_space<hbm>> -> memref<200xi32, #tpu.memory_space<hbm>>
        %dma_wait3A_376 = tpu.memref_slice %arg2[%add3A_374] : memref<819200xi32, #tpu.memory_space<hbm>> -> memref<200xi32, #tpu.memory_space<hbm>>
        tpu.wait_dma2 semaphore(%arg23 : memref<!tpu.dma_semaphore, #tpu.memory_space<semaphore_mem>>) src(%dma_wait3A_376 : memref<200xi32, #tpu.memory_space<hbm>>) dst(%arg7 : memref<200xi32, #tpu.memory_space<vmem>>)
        %dma_start3A_377 = arith.constant 0 : i32
        %dma_start3A_378 = arith.constant 0 : i32
        %dma_start3A_379 = tpu.memref_slice %arg3[%dma_start3A_377, %dma_start3A_378] : memref<100000x64xf32, #tpu.memory_space<hbm>> -> memref<100000x64xf32, #tpu.memory_space<hbm>>
        tpu.enqueue_indirect_dma source(%dma_start3A_379 : memref<100000x64xf32, #tpu.memory_space<hbm>>) target(%arg15 : memref<200x64xf32, #tpu.memory_space<vmem>>) offsets(%arg7 : memref<200xi32, #tpu.memory_space<vmem>>) semaphore(%arg31 : memref<!tpu.dma_semaphore, #tpu.memory_space<semaphore_mem>>)
      } else {
      }
      %dma_wait3A_248 = arith.constant 0 : i32
      %dma_wait3A_249 = arith.constant 0 : i32
      %dma_wait3A_250 = tpu.memref_slice %arg3[%dma_wait3A_248, %dma_wait3A_249] : memref<100000x64xf32, #tpu.memory_space<hbm>> -> memref<100000x64xf32, #tpu.memory_space<hbm>>
      tpu.wait_indirect_dma semaphore(%arg35 : memref<!tpu.dma_semaphore, #tpu.memory_space<semaphore_mem>>) src(%dma_wait3A_250 : memref<100000x64xf32, #tpu.memory_space<hbm>>) dst(%arg19 : memref<200x64xf32, #tpu.memory_space<vmem>>)
      %scan3A_251 = arith.constant 0 : i32
      %scan3A_252 = arith.constant 200 : i32
      %scan3A_253 = arith.addi %scan3A_251, %scan3A_252 : i32
      %scan3A_254 = arith.constant 1 : i32
      scf.for %scan3A_363 = %scan3A_251 to %scan3A_253 step %scan3A_254  : i32 {
        %mul3A_364 = arith.constant 1 : i32
        %mul3A_365 = arith.muli %scan3A_363, %mul3A_364 : i32
        %add3A_366 = arith.constant 0 : i32
        %add3A_367 = arith.addi %add3A_366, %mul3A_365 : i32
        %get3A = arith.index_cast %add3A_367 : i32 to index
        %get3A_368 = arith.constant 0 : index
        %get3A_369 = tpu.vector_load %arg6[%get3A, %get3A_368] {strides = array<i32>} : memref<200x64xf32, #tpu.memory_space<vmem>>, vector<1x16xf32>,
        %get3A_370 = vector.shape_cast %get3A_369 : vector<1x16xf32> to vector<16xf32>
        %get3A_371 = arith.index_cast %add3A_367 : i32 to index
        %get3A_372 = arith.constant 16 : index
        %get3A_373 = tpu.vector_load %arg6[%get3A_371, %get3A_372] {strides = array<i32>} : memref<200x64xf32, #tpu.memory_space<vmem>>, vector<1x16xf32>,
        %get3A_374 = vector.shape_cast %get3A_373 : vector<1x16xf32> to vector<16xf32>
        %get3A_375 = arith.index_cast %add3A_367 : i32 to index
        %get3A_376 = arith.constant 32 : index
        %get3A_377 = tpu.vector_load %arg6[%get3A_375, %get3A_376] {strides = array<i32>} : memref<200x64xf32, #tpu.memory_space<vmem>>, vector<1x16xf32>,
        %get3A_378 = vector.shape_cast %get3A_377 : vector<1x16xf32> to vector<16xf32>
        %get3A_379 = arith.index_cast %add3A_367 : i32 to index
        %get3A_380 = arith.constant 48 : index
        %get3A_381 = tpu.vector_load %arg6[%get3A_379, %get3A_380] {strides = array<i32>} : memref<200x64xf32, #tpu.memory_space<vmem>>, vector<1x16xf32>,
        %get3A_382 = vector.shape_cast %get3A_381 : vector<1x16xf32> to vector<16xf32>
        %swap3A = arith.index_cast %add3A_367 : i32 to index
        %swap3A_383 = arith.constant 0 : index
        %swap3A_384 = tpu.vector_load %arg19[%swap3A, %swap3A_383] {strides = array<i32>} : memref<200x64xf32, #tpu.memory_space<vmem>>, vector<1x16xf32>,
        %swap3A_385 = vector.shape_cast %swap3A_384 : vector<1x16xf32> to vector<16xf32>
        %swap3A_386 = vector.shape_cast %get3A_370 : vector<16xf32> to vector<1x16xf32>
        tpu.vector_store %arg19[%swap3A, %swap3A_383], %swap3A_386 {add = true, strides = array<i32>} : memref<200x64xf32, #tpu.memory_space<vmem>>, vector<1x16xf32>,
        %swap3A_387 = arith.index_cast %add3A_367 : i32 to index
        %swap3A_388 = arith.constant 16 : index
        %swap3A_389 = tpu.vector_load %arg19[%swap3A_387, %swap3A_388] {strides = array<i32>} : memref<200x64xf32, #tpu.memory_space<vmem>>, vector<1x16xf32>,
        %swap3A_390 = vector.shape_cast %swap3A_389 : vector<1x16xf32> to vector<16xf32>
        %swap3A_391 = vector.shape_cast %get3A_374 : vector<16xf32> to vector<1x16xf32>
        tpu.vector_store %arg19[%swap3A_387, %swap3A_388], %swap3A_391 {add = true, strides = array<i32>} : memref<200x64xf32, #tpu.memory_space<vmem>>, vector<1x16xf32>,
        %swap3A_392 = arith.index_cast %add3A_367 : i32 to index
        %swap3A_393 = arith.constant 32 : index
        %swap3A_394 = tpu.vector_load %arg19[%swap3A_392, %swap3A_393] {strides = array<i32>} : memref<200x64xf32, #tpu.memory_space<vmem>>, vector<1x16xf32>,
        %swap3A_395 = vector.shape_cast %swap3A_394 : vector<1x16xf32> to vector<16xf32>
        %swap3A_396 = vector.shape_cast %get3A_378 : vector<16xf32> to vector<1x16xf32>
        tpu.vector_store %arg19[%swap3A_392, %swap3A_393], %swap3A_396 {add = true, strides = array<i32>} : memref<200x64xf32, #tpu.memory_space<vmem>>, vector<1x16xf32>,
        %swap3A_397 = arith.index_cast %add3A_367 : i32 to index
        %swap3A_398 = arith.constant 48 : index
        %swap3A_399 = tpu.vector_load %arg19[%swap3A_397, %swap3A_398] {strides = array<i32>} : memref<200x64xf32, #tpu.memory_space<vmem>>, vector<1x16xf32>,
        %swap3A_400 = vector.shape_cast %swap3A_399 : vector<1x16xf32> to vector<16xf32>
        %swap3A_401 = vector.shape_cast %get3A_382 : vector<16xf32> to vector<1x16xf32>
        tpu.vector_store %arg19[%swap3A_397, %swap3A_398], %swap3A_401 {add = true, strides = array<i32>} : memref<200x64xf32, #tpu.memory_space<vmem>>, vector<1x16xf32>,
      }
      %scan3A_255 = arith.constant 200 : i32
      %mul3A_256 = arith.constant 200 : i32
      %mul3A_257 = arith.muli %add3A_240, %mul3A_256 : i32
      %add3A_258 = arith.addi %mul3A_2, %mul3A_257 : i32
      %dma_start3A_259 = arith.constant 0 : i32
      %dma_start3A_260 = tpu.memref_slice %arg5[%add3A_258, %dma_start3A_259] : memref<819200x64xf32, #tpu.memory_space<hbm>> -> memref<200x64xf32, #tpu.memory_space<hbm>>
      %dma_start3A_261 = arith.constant 0 : i32
      %dma_start3A_262 = tpu.memref_slice %arg5[%add3A_258, %dma_start3A_261] : memref<819200x64xf32, #tpu.memory_space<hbm>> -> memref<200x64xf32, #tpu.memory_space<hbm>>
      tpu.enqueue_dma source(%arg19 : memref<200x64xf32, #tpu.memory_space<vmem>>) target(%dma_start3A_262 : memref<200x64xf32, #tpu.memory_space<hbm>>) target_semaphore(%arg43 : memref<!tpu.dma_semaphore, #tpu.memory_space<semaphore_mem>>)
      %add3A_263 = arith.constant 8 : i32
      %add3A_264 = arith.addi %add3A_240, %add3A_263 : i32
      %lt3A_265 = arith.constant 128 : i32
      %lt3A_266 = arith.cmpi slt, %add3A_264, %lt3A_265 : i32
      %convert_element_type3A_267 = arith.extui %lt3A_266 : i1 to i32
      %cond3A_268 = arith.constant 0 : i32
      %cond3A_269 = arith.cmpi ne, %convert_element_type3A_267, %cond3A_268 : i32
      scf.if %cond3A_269 {
        %add3A_363 = arith.constant 8 : i32
        %add3A_364 = arith.addi %add3A_240, %add3A_363 : i32
        %mul3A_365 = arith.constant 200 : i32
        %mul3A_366 = arith.muli %add3A_364, %mul3A_365 : i32
        %add3A_367 = arith.addi %mul3A_2, %mul3A_366 : i32
        %dma_start3A_368 = tpu.memref_slice %arg2[%add3A_367] : memref<819200xi32, #tpu.memory_space<hbm>> -> memref<200xi32, #tpu.memory_space<hbm>>
        %dma_start3A_369 = tpu.memref_slice %arg2[%add3A_367] : memref<819200xi32, #tpu.memory_space<hbm>> -> memref<200xi32, #tpu.memory_space<hbm>>
        tpu.enqueue_dma source(%dma_start3A_369 : memref<200xi32, #tpu.memory_space<hbm>>) target(%arg11 : memref<200xi32, #tpu.memory_space<vmem>>) target_semaphore(%arg27 : memref<!tpu.dma_semaphore, #tpu.memory_space<semaphore_mem>>)
      } else {
      }
      %add3A_270 = arith.constant 5 : i32
      %add3A_271 = arith.addi %add3A_117, %add3A_270 : i32
      %add3A_272 = arith.constant 4 : i32
      %add3A_273 = arith.addi %add3A_271, %add3A_272 : i32
      %lt3A_274 = arith.constant 128 : i32
      %lt3A_275 = arith.cmpi slt, %add3A_273, %lt3A_274 : i32
      %convert_element_type3A_276 = arith.extui %lt3A_275 : i1 to i32
      %cond3A_277 = arith.constant 0 : i32
      %cond3A_278 = arith.cmpi ne, %convert_element_type3A_276, %cond3A_277 : i32
      scf.if %cond3A_278 {
        %add3A_363 = arith.constant 4 : i32
        %add3A_364 = arith.addi %add3A_271, %add3A_363 : i32
        %sub3A = arith.constant 8 : i32
        %sub3A_365 = arith.subi %add3A_364, %sub3A : i32
        %ge3A = arith.constant 0 : i32
        %ge3A_366 = arith.cmpi sge, %sub3A_365, %ge3A : i32
        %convert_element_type3A_367 = arith.extui %ge3A_366 : i1 to i32
        %cond3A_368 = arith.constant 0 : i32
        %cond3A_369 = arith.cmpi ne, %convert_element_type3A_367, %cond3A_368 : i32
        scf.if %cond3A_369 {
          %add3A_380 = arith.constant 4 : i32
          %add3A_381 = arith.addi %add3A_271, %add3A_380 : i32
          %sub3A_382 = arith.constant 8 : i32
          %sub3A_383 = arith.subi %add3A_381, %sub3A_382 : i32
          %mul3A_384 = arith.constant 200 : i32
          %mul3A_385 = arith.muli %sub3A_383, %mul3A_384 : i32
          %add3A_386 = arith.addi %mul3A_2, %mul3A_385 : i32
          %dma_wait3A_387 = arith.constant 0 : i32
          %dma_wait3A_388 = tpu.memref_slice %arg5[%add3A_386, %dma_wait3A_387] : memref<819200x64xf32, #tpu.memory_space<hbm>> -> memref<200x64xf32, #tpu.memory_space<hbm>>
          %dma_wait3A_389 = arith.constant 0 : i32
          %dma_wait3A_390 = tpu.memref_slice %arg5[%add3A_386, %dma_wait3A_389] : memref<819200x64xf32, #tpu.memory_space<hbm>> -> memref<200x64xf32, #tpu.memory_space<hbm>>
          tpu.wait_dma2 semaphore(%arg40 : memref<!tpu.dma_semaphore, #tpu.memory_space<semaphore_mem>>) src(%arg16 : memref<200x64xf32, #tpu.memory_space<vmem>>) dst(%dma_wait3A_390 : memref<200x64xf32, #tpu.memory_space<hbm>>)
        } else {
        }
        %add3A_370 = arith.constant 4 : i32
        %add3A_371 = arith.addi %add3A_271, %add3A_370 : i32
        %mul3A_372 = arith.constant 200 : i32
        %mul3A_373 = arith.muli %add3A_371, %mul3A_372 : i32
        %add3A_374 = arith.addi %mul3A_2, %mul3A_373 : i32
        %dma_wait3A_375 = tpu.memref_slice %arg2[%add3A_374] : memref<819200xi32, #tpu.memory_space<hbm>> -> memref<200xi32, #tpu.memory_space<hbm>>
        %dma_wait3A_376 = tpu.memref_slice %arg2[%add3A_374] : memref<819200xi32, #tpu.memory_space<hbm>> -> memref<200xi32, #tpu.memory_space<hbm>>
        tpu.wait_dma2 semaphore(%arg24 : memref<!tpu.dma_semaphore, #tpu.memory_space<semaphore_mem>>) src(%dma_wait3A_376 : memref<200xi32, #tpu.memory_space<hbm>>) dst(%arg8 : memref<200xi32, #tpu.memory_space<vmem>>)
        %dma_start3A_377 = arith.constant 0 : i32
        %dma_start3A_378 = arith.constant 0 : i32
        %dma_start3A_379 = tpu.memref_slice %arg3[%dma_start3A_377, %dma_start3A_378] : memref<100000x64xf32, #tpu.memory_space<hbm>> -> memref<100000x64xf32, #tpu.memory_space<hbm>>
        tpu.enqueue_indirect_dma source(%dma_start3A_379 : memref<100000x64xf32, #tpu.memory_space<hbm>>) target(%arg16 : memref<200x64xf32, #tpu.memory_space<vmem>>) offsets(%arg8 : memref<200xi32, #tpu.memory_space<vmem>>) semaphore(%arg32 : memref<!tpu.dma_semaphore, #tpu.memory_space<semaphore_mem>>)
      } else {
      }
      %dma_wait3A_279 = arith.constant 0 : i32
      %dma_wait3A_280 = arith.constant 0 : i32
      %dma_wait3A_281 = tpu.memref_slice %arg3[%dma_wait3A_279, %dma_wait3A_280] : memref<100000x64xf32, #tpu.memory_space<hbm>> -> memref<100000x64xf32, #tpu.memory_space<hbm>>
      tpu.wait_indirect_dma semaphore(%arg36 : memref<!tpu.dma_semaphore, #tpu.memory_space<semaphore_mem>>) src(%dma_wait3A_281 : memref<100000x64xf32, #tpu.memory_space<hbm>>) dst(%arg20 : memref<200x64xf32, #tpu.memory_space<vmem>>)
      %scan3A_282 = arith.constant 0 : i32
      %scan3A_283 = arith.constant 200 : i32
      %scan3A_284 = arith.addi %scan3A_282, %scan3A_283 : i32
      %scan3A_285 = arith.constant 1 : i32
      scf.for %scan3A_363 = %scan3A_282 to %scan3A_284 step %scan3A_285  : i32 {
        %mul3A_364 = arith.constant 1 : i32
        %mul3A_365 = arith.muli %scan3A_363, %mul3A_364 : i32
        %add3A_366 = arith.constant 0 : i32
        %add3A_367 = arith.addi %add3A_366, %mul3A_365 : i32
        %get3A = arith.index_cast %add3A_367 : i32 to index
        %get3A_368 = arith.constant 0 : index
        %get3A_369 = tpu.vector_load %arg6[%get3A, %get3A_368] {strides = array<i32>} : memref<200x64xf32, #tpu.memory_space<vmem>>, vector<1x16xf32>,
        %get3A_370 = vector.shape_cast %get3A_369 : vector<1x16xf32> to vector<16xf32>
        %get3A_371 = arith.index_cast %add3A_367 : i32 to index
        %get3A_372 = arith.constant 16 : index
        %get3A_373 = tpu.vector_load %arg6[%get3A_371, %get3A_372] {strides = array<i32>} : memref<200x64xf32, #tpu.memory_space<vmem>>, vector<1x16xf32>,
        %get3A_374 = vector.shape_cast %get3A_373 : vector<1x16xf32> to vector<16xf32>
        %get3A_375 = arith.index_cast %add3A_367 : i32 to index
        %get3A_376 = arith.constant 32 : index
        %get3A_377 = tpu.vector_load %arg6[%get3A_375, %get3A_376] {strides = array<i32>} : memref<200x64xf32, #tpu.memory_space<vmem>>, vector<1x16xf32>,
        %get3A_378 = vector.shape_cast %get3A_377 : vector<1x16xf32> to vector<16xf32>
        %get3A_379 = arith.index_cast %add3A_367 : i32 to index
        %get3A_380 = arith.constant 48 : index
        %get3A_381 = tpu.vector_load %arg6[%get3A_379, %get3A_380] {strides = array<i32>} : memref<200x64xf32, #tpu.memory_space<vmem>>, vector<1x16xf32>,
        %get3A_382 = vector.shape_cast %get3A_381 : vector<1x16xf32> to vector<16xf32>
        %swap3A = arith.index_cast %add3A_367 : i32 to index
        %swap3A_383 = arith.constant 0 : index
        %swap3A_384 = tpu.vector_load %arg20[%swap3A, %swap3A_383] {strides = array<i32>} : memref<200x64xf32, #tpu.memory_space<vmem>>, vector<1x16xf32>,
        %swap3A_385 = vector.shape_cast %swap3A_384 : vector<1x16xf32> to vector<16xf32>
        %swap3A_386 = vector.shape_cast %get3A_370 : vector<16xf32> to vector<1x16xf32>
        tpu.vector_store %arg20[%swap3A, %swap3A_383], %swap3A_386 {add = true, strides = array<i32>} : memref<200x64xf32, #tpu.memory_space<vmem>>, vector<1x16xf32>,
        %swap3A_387 = arith.index_cast %add3A_367 : i32 to index
        %swap3A_388 = arith.constant 16 : index
        %swap3A_389 = tpu.vector_load %arg20[%swap3A_387, %swap3A_388] {strides = array<i32>} : memref<200x64xf32, #tpu.memory_space<vmem>>, vector<1x16xf32>,
        %swap3A_390 = vector.shape_cast %swap3A_389 : vector<1x16xf32> to vector<16xf32>
        %swap3A_391 = vector.shape_cast %get3A_374 : vector<16xf32> to vector<1x16xf32>
        tpu.vector_store %arg20[%swap3A_387, %swap3A_388], %swap3A_391 {add = true, strides = array<i32>} : memref<200x64xf32, #tpu.memory_space<vmem>>, vector<1x16xf32>,
        %swap3A_392 = arith.index_cast %add3A_367 : i32 to index
        %swap3A_393 = arith.constant 32 : index
        %swap3A_394 = tpu.vector_load %arg20[%swap3A_392, %swap3A_393] {strides = array<i32>} : memref<200x64xf32, #tpu.memory_space<vmem>>, vector<1x16xf32>,
        %swap3A_395 = vector.shape_cast %swap3A_394 : vector<1x16xf32> to vector<16xf32>
        %swap3A_396 = vector.shape_cast %get3A_378 : vector<16xf32> to vector<1x16xf32>
        tpu.vector_store %arg20[%swap3A_392, %swap3A_393], %swap3A_396 {add = true, strides = array<i32>} : memref<200x64xf32, #tpu.memory_space<vmem>>, vector<1x16xf32>,
        %swap3A_397 = arith.index_cast %add3A_367 : i32 to index
        %swap3A_398 = arith.constant 48 : index
        %swap3A_399 = tpu.vector_load %arg20[%swap3A_397, %swap3A_398] {strides = array<i32>} : memref<200x64xf32, #tpu.memory_space<vmem>>, vector<1x16xf32>,
        %swap3A_400 = vector.shape_cast %swap3A_399 : vector<1x16xf32> to vector<16xf32>
        %swap3A_401 = vector.shape_cast %get3A_382 : vector<16xf32> to vector<1x16xf32>
        tpu.vector_store %arg20[%swap3A_397, %swap3A_398], %swap3A_401 {add = true, strides = array<i32>} : memref<200x64xf32, #tpu.memory_space<vmem>>, vector<1x16xf32>,
      }
      %scan3A_286 = arith.constant 200 : i32
      %mul3A_287 = arith.constant 200 : i32
      %mul3A_288 = arith.muli %add3A_271, %mul3A_287 : i32
      %add3A_289 = arith.addi %mul3A_2, %mul3A_288 : i32
      %dma_start3A_290 = arith.constant 0 : i32
      %dma_start3A_291 = tpu.memref_slice %arg5[%add3A_289, %dma_start3A_290] : memref<819200x64xf32, #tpu.memory_space<hbm>> -> memref<200x64xf32, #tpu.memory_space<hbm>>
      %dma_start3A_292 = arith.constant 0 : i32
      %dma_start3A_293 = tpu.memref_slice %arg5[%add3A_289, %dma_start3A_292] : memref<819200x64xf32, #tpu.memory_space<hbm>> -> memref<200x64xf32, #tpu.memory_space<hbm>>
      tpu.enqueue_dma source(%arg20 : memref<200x64xf32, #tpu.memory_space<vmem>>) target(%dma_start3A_293 : memref<200x64xf32, #tpu.memory_space<hbm>>) target_semaphore(%arg44 : memref<!tpu.dma_semaphore, #tpu.memory_space<semaphore_mem>>)
      %add3A_294 = arith.constant 8 : i32
      %add3A_295 = arith.addi %add3A_271, %add3A_294 : i32
      %lt3A_296 = arith.constant 128 : i32
      %lt3A_297 = arith.cmpi slt, %add3A_295, %lt3A_296 : i32
      %convert_element_type3A_298 = arith.extui %lt3A_297 : i1 to i32
      %cond3A_299 = arith.constant 0 : i32
      %cond3A_300 = arith.cmpi ne, %convert_element_type3A_298, %cond3A_299 : i32
      scf.if %cond3A_300 {
        %add3A_363 = arith.constant 8 : i32
        %add3A_364 = arith.addi %add3A_271, %add3A_363 : i32
        %mul3A_365 = arith.constant 200 : i32
        %mul3A_366 = arith.muli %add3A_364, %mul3A_365 : i32
        %add3A_367 = arith.addi %mul3A_2, %mul3A_366 : i32
        %dma_start3A_368 = tpu.memref_slice %arg2[%add3A_367] : memref<819200xi32, #tpu.memory_space<hbm>> -> memref<200xi32, #tpu.memory_space<hbm>>
        %dma_start3A_369 = tpu.memref_slice %arg2[%add3A_367] : memref<819200xi32, #tpu.memory_space<hbm>> -> memref<200xi32, #tpu.memory_space<hbm>>
        tpu.enqueue_dma source(%dma_start3A_369 : memref<200xi32, #tpu.memory_space<hbm>>) target(%arg12 : memref<200xi32, #tpu.memory_space<vmem>>) target_semaphore(%arg28 : memref<!tpu.dma_semaphore, #tpu.memory_space<semaphore_mem>>)
      } else {
      }
      %add3A_301 = arith.constant 6 : i32
      %add3A_302 = arith.addi %add3A_117, %add3A_301 : i32
      %add3A_303 = arith.constant 4 : i32
      %add3A_304 = arith.addi %add3A_302, %add3A_303 : i32
      %lt3A_305 = arith.constant 128 : i32
      %lt3A_306 = arith.cmpi slt, %add3A_304, %lt3A_305 : i32
      %convert_element_type3A_307 = arith.extui %lt3A_306 : i1 to i32
      %cond3A_308 = arith.constant 0 : i32
      %cond3A_309 = arith.cmpi ne, %convert_element_type3A_307, %cond3A_308 : i32
      scf.if %cond3A_309 {
        %add3A_363 = arith.constant 4 : i32
        %add3A_364 = arith.addi %add3A_302, %add3A_363 : i32
        %sub3A = arith.constant 8 : i32
        %sub3A_365 = arith.subi %add3A_364, %sub3A : i32
        %ge3A = arith.constant 0 : i32
        %ge3A_366 = arith.cmpi sge, %sub3A_365, %ge3A : i32
        %convert_element_type3A_367 = arith.extui %ge3A_366 : i1 to i32
        %cond3A_368 = arith.constant 0 : i32
        %cond3A_369 = arith.cmpi ne, %convert_element_type3A_367, %cond3A_368 : i32
        scf.if %cond3A_369 {
          %add3A_380 = arith.constant 4 : i32
          %add3A_381 = arith.addi %add3A_302, %add3A_380 : i32
          %sub3A_382 = arith.constant 8 : i32
          %sub3A_383 = arith.subi %add3A_381, %sub3A_382 : i32
          %mul3A_384 = arith.constant 200 : i32
          %mul3A_385 = arith.muli %sub3A_383, %mul3A_384 : i32
          %add3A_386 = arith.addi %mul3A_2, %mul3A_385 : i32
          %dma_wait3A_387 = arith.constant 0 : i32
          %dma_wait3A_388 = tpu.memref_slice %arg5[%add3A_386, %dma_wait3A_387] : memref<819200x64xf32, #tpu.memory_space<hbm>> -> memref<200x64xf32, #tpu.memory_space<hbm>>
          %dma_wait3A_389 = arith.constant 0 : i32
          %dma_wait3A_390 = tpu.memref_slice %arg5[%add3A_386, %dma_wait3A_389] : memref<819200x64xf32, #tpu.memory_space<hbm>> -> memref<200x64xf32, #tpu.memory_space<hbm>>
          tpu.wait_dma2 semaphore(%arg41 : memref<!tpu.dma_semaphore, #tpu.memory_space<semaphore_mem>>) src(%arg17 : memref<200x64xf32, #tpu.memory_space<vmem>>) dst(%dma_wait3A_390 : memref<200x64xf32, #tpu.memory_space<hbm>>)
        } else {
        }
        %add3A_370 = arith.constant 4 : i32
        %add3A_371 = arith.addi %add3A_302, %add3A_370 : i32
        %mul3A_372 = arith.constant 200 : i32
        %mul3A_373 = arith.muli %add3A_371, %mul3A_372 : i32
        %add3A_374 = arith.addi %mul3A_2, %mul3A_373 : i32
        %dma_wait3A_375 = tpu.memref_slice %arg2[%add3A_374] : memref<819200xi32, #tpu.memory_space<hbm>> -> memref<200xi32, #tpu.memory_space<hbm>>
        %dma_wait3A_376 = tpu.memref_slice %arg2[%add3A_374] : memref<819200xi32, #tpu.memory_space<hbm>> -> memref<200xi32, #tpu.memory_space<hbm>>
        tpu.wait_dma2 semaphore(%arg25 : memref<!tpu.dma_semaphore, #tpu.memory_space<semaphore_mem>>) src(%dma_wait3A_376 : memref<200xi32, #tpu.memory_space<hbm>>) dst(%arg9 : memref<200xi32, #tpu.memory_space<vmem>>)
        %dma_start3A_377 = arith.constant 0 : i32
        %dma_start3A_378 = arith.constant 0 : i32
        %dma_start3A_379 = tpu.memref_slice %arg3[%dma_start3A_377, %dma_start3A_378] : memref<100000x64xf32, #tpu.memory_space<hbm>> -> memref<100000x64xf32, #tpu.memory_space<hbm>>
        tpu.enqueue_indirect_dma source(%dma_start3A_379 : memref<100000x64xf32, #tpu.memory_space<hbm>>) target(%arg17 : memref<200x64xf32, #tpu.memory_space<vmem>>) offsets(%arg9 : memref<200xi32, #tpu.memory_space<vmem>>) semaphore(%arg33 : memref<!tpu.dma_semaphore, #tpu.memory_space<semaphore_mem>>)
      } else {
      }
      %dma_wait3A_310 = arith.constant 0 : i32
      %dma_wait3A_311 = arith.constant 0 : i32
      %dma_wait3A_312 = tpu.memref_slice %arg3[%dma_wait3A_310, %dma_wait3A_311] : memref<100000x64xf32, #tpu.memory_space<hbm>> -> memref<100000x64xf32, #tpu.memory_space<hbm>>
      tpu.wait_indirect_dma semaphore(%arg37 : memref<!tpu.dma_semaphore, #tpu.memory_space<semaphore_mem>>) src(%dma_wait3A_312 : memref<100000x64xf32, #tpu.memory_space<hbm>>) dst(%arg21 : memref<200x64xf32, #tpu.memory_space<vmem>>)
      %scan3A_313 = arith.constant 0 : i32
      %scan3A_314 = arith.constant 200 : i32
      %scan3A_315 = arith.addi %scan3A_313, %scan3A_314 : i32
      %scan3A_316 = arith.constant 1 : i32
      scf.for %scan3A_363 = %scan3A_313 to %scan3A_315 step %scan3A_316  : i32 {
        %mul3A_364 = arith.constant 1 : i32
        %mul3A_365 = arith.muli %scan3A_363, %mul3A_364 : i32
        %add3A_366 = arith.constant 0 : i32
        %add3A_367 = arith.addi %add3A_366, %mul3A_365 : i32
        %get3A = arith.index_cast %add3A_367 : i32 to index
        %get3A_368 = arith.constant 0 : index
        %get3A_369 = tpu.vector_load %arg6[%get3A, %get3A_368] {strides = array<i32>} : memref<200x64xf32, #tpu.memory_space<vmem>>, vector<1x16xf32>,
        %get3A_370 = vector.shape_cast %get3A_369 : vector<1x16xf32> to vector<16xf32>
        %get3A_371 = arith.index_cast %add3A_367 : i32 to index
        %get3A_372 = arith.constant 16 : index
        %get3A_373 = tpu.vector_load %arg6[%get3A_371, %get3A_372] {strides = array<i32>} : memref<200x64xf32, #tpu.memory_space<vmem>>, vector<1x16xf32>,
        %get3A_374 = vector.shape_cast %get3A_373 : vector<1x16xf32> to vector<16xf32>
        %get3A_375 = arith.index_cast %add3A_367 : i32 to index
        %get3A_376 = arith.constant 32 : index
        %get3A_377 = tpu.vector_load %arg6[%get3A_375, %get3A_376] {strides = array<i32>} : memref<200x64xf32, #tpu.memory_space<vmem>>, vector<1x16xf32>,
        %get3A_378 = vector.shape_cast %get3A_377 : vector<1x16xf32> to vector<16xf32>
        %get3A_379 = arith.index_cast %add3A_367 : i32 to index
        %get3A_380 = arith.constant 48 : index
        %get3A_381 = tpu.vector_load %arg6[%get3A_379, %get3A_380] {strides = array<i32>} : memref<200x64xf32, #tpu.memory_space<vmem>>, vector<1x16xf32>,
        %get3A_382 = vector.shape_cast %get3A_381 : vector<1x16xf32> to vector<16xf32>
        %swap3A = arith.index_cast %add3A_367 : i32 to index
        %swap3A_383 = arith.constant 0 : index
        %swap3A_384 = tpu.vector_load %arg21[%swap3A, %swap3A_383] {strides = array<i32>} : memref<200x64xf32, #tpu.memory_space<vmem>>, vector<1x16xf32>,
        %swap3A_385 = vector.shape_cast %swap3A_384 : vector<1x16xf32> to vector<16xf32>
        %swap3A_386 = vector.shape_cast %get3A_370 : vector<16xf32> to vector<1x16xf32>
        tpu.vector_store %arg21[%swap3A, %swap3A_383], %swap3A_386 {add = true, strides = array<i32>} : memref<200x64xf32, #tpu.memory_space<vmem>>, vector<1x16xf32>,
        %swap3A_387 = arith.index_cast %add3A_367 : i32 to index
        %swap3A_388 = arith.constant 16 : index
        %swap3A_389 = tpu.vector_load %arg21[%swap3A_387, %swap3A_388] {strides = array<i32>} : memref<200x64xf32, #tpu.memory_space<vmem>>, vector<1x16xf32>,
        %swap3A_390 = vector.shape_cast %swap3A_389 : vector<1x16xf32> to vector<16xf32>
        %swap3A_391 = vector.shape_cast %get3A_374 : vector<16xf32> to vector<1x16xf32>
        tpu.vector_store %arg21[%swap3A_387, %swap3A_388], %swap3A_391 {add = true, strides = array<i32>} : memref<200x64xf32, #tpu.memory_space<vmem>>, vector<1x16xf32>,
        %swap3A_392 = arith.index_cast %add3A_367 : i32 to index
        %swap3A_393 = arith.constant 32 : index
        %swap3A_394 = tpu.vector_load %arg21[%swap3A_392, %swap3A_393] {strides = array<i32>} : memref<200x64xf32, #tpu.memory_space<vmem>>, vector<1x16xf32>,
        %swap3A_395 = vector.shape_cast %swap3A_394 : vector<1x16xf32> to vector<16xf32>
        %swap3A_396 = vector.shape_cast %get3A_378 : vector<16xf32> to vector<1x16xf32>
        tpu.vector_store %arg21[%swap3A_392, %swap3A_393], %swap3A_396 {add = true, strides = array<i32>} : memref<200x64xf32, #tpu.memory_space<vmem>>, vector<1x16xf32>,
        %swap3A_397 = arith.index_cast %add3A_367 : i32 to index
        %swap3A_398 = arith.constant 48 : index
        %swap3A_399 = tpu.vector_load %arg21[%swap3A_397, %swap3A_398] {strides = array<i32>} : memref<200x64xf32, #tpu.memory_space<vmem>>, vector<1x16xf32>,
        %swap3A_400 = vector.shape_cast %swap3A_399 : vector<1x16xf32> to vector<16xf32>
        %swap3A_401 = vector.shape_cast %get3A_382 : vector<16xf32> to vector<1x16xf32>
        tpu.vector_store %arg21[%swap3A_397, %swap3A_398], %swap3A_401 {add = true, strides = array<i32>} : memref<200x64xf32, #tpu.memory_space<vmem>>, vector<1x16xf32>,
      }
      %scan3A_317 = arith.constant 200 : i32
      %mul3A_318 = arith.constant 200 : i32
      %mul3A_319 = arith.muli %add3A_302, %mul3A_318 : i32
      %add3A_320 = arith.addi %mul3A_2, %mul3A_319 : i32
      %dma_start3A_321 = arith.constant 0 : i32
      %dma_start3A_322 = tpu.memref_slice %arg5[%add3A_320, %dma_start3A_321] : memref<819200x64xf32, #tpu.memory_space<hbm>> -> memref<200x64xf32, #tpu.memory_space<hbm>>
      %dma_start3A_323 = arith.constant 0 : i32
      %dma_start3A_324 = tpu.memref_slice %arg5[%add3A_320, %dma_start3A_323] : memref<819200x64xf32, #tpu.memory_space<hbm>> -> memref<200x64xf32, #tpu.memory_space<hbm>>
      tpu.enqueue_dma source(%arg21 : memref<200x64xf32, #tpu.memory_space<vmem>>) target(%dma_start3A_324 : memref<200x64xf32, #tpu.memory_space<hbm>>) target_semaphore(%arg45 : memref<!tpu.dma_semaphore, #tpu.memory_space<semaphore_mem>>)
      %add3A_325 = arith.constant 8 : i32
      %add3A_326 = arith.addi %add3A_302, %add3A_325 : i32
      %lt3A_327 = arith.constant 128 : i32
      %lt3A_328 = arith.cmpi slt, %add3A_326, %lt3A_327 : i32
      %convert_element_type3A_329 = arith.extui %lt3A_328 : i1 to i32
      %cond3A_330 = arith.constant 0 : i32
      %cond3A_331 = arith.cmpi ne, %convert_element_type3A_329, %cond3A_330 : i32
      scf.if %cond3A_331 {
        %add3A_363 = arith.constant 8 : i32
        %add3A_364 = arith.addi %add3A_302, %add3A_363 : i32
        %mul3A_365 = arith.constant 200 : i32
        %mul3A_366 = arith.muli %add3A_364, %mul3A_365 : i32
        %add3A_367 = arith.addi %mul3A_2, %mul3A_366 : i32
        %dma_start3A_368 = tpu.memref_slice %arg2[%add3A_367] : memref<819200xi32, #tpu.memory_space<hbm>> -> memref<200xi32, #tpu.memory_space<hbm>>
        %dma_start3A_369 = tpu.memref_slice %arg2[%add3A_367] : memref<819200xi32, #tpu.memory_space<hbm>> -> memref<200xi32, #tpu.memory_space<hbm>>
        tpu.enqueue_dma source(%dma_start3A_369 : memref<200xi32, #tpu.memory_space<hbm>>) target(%arg13 : memref<200xi32, #tpu.memory_space<vmem>>) target_semaphore(%arg29 : memref<!tpu.dma_semaphore, #tpu.memory_space<semaphore_mem>>)
      } else {
      }
      %add3A_332 = arith.constant 7 : i32
      %add3A_333 = arith.addi %add3A_117, %add3A_332 : i32
      %add3A_334 = arith.constant 4 : i32
      %add3A_335 = arith.addi %add3A_333, %add3A_334 : i32
      %lt3A_336 = arith.constant 128 : i32
      %lt3A_337 = arith.cmpi slt, %add3A_335, %lt3A_336 : i32
      %convert_element_type3A_338 = arith.extui %lt3A_337 : i1 to i32
      %cond3A_339 = arith.constant 0 : i32
      %cond3A_340 = arith.cmpi ne, %convert_element_type3A_338, %cond3A_339 : i32
      scf.if %cond3A_340 {
        %add3A_363 = arith.constant 4 : i32
        %add3A_364 = arith.addi %add3A_333, %add3A_363 : i32
        %sub3A = arith.constant 8 : i32
        %sub3A_365 = arith.subi %add3A_364, %sub3A : i32
        %ge3A = arith.constant 0 : i32
        %ge3A_366 = arith.cmpi sge, %sub3A_365, %ge3A : i32
        %convert_element_type3A_367 = arith.extui %ge3A_366 : i1 to i32
        %cond3A_368 = arith.constant 0 : i32
        %cond3A_369 = arith.cmpi ne, %convert_element_type3A_367, %cond3A_368 : i32
        scf.if %cond3A_369 {
          %add3A_380 = arith.constant 4 : i32
          %add3A_381 = arith.addi %add3A_333, %add3A_380 : i32
          %sub3A_382 = arith.constant 8 : i32
          %sub3A_383 = arith.subi %add3A_381, %sub3A_382 : i32
          %mul3A_384 = arith.constant 200 : i32
          %mul3A_385 = arith.muli %sub3A_383, %mul3A_384 : i32
          %add3A_386 = arith.addi %mul3A_2, %mul3A_385 : i32
          %dma_wait3A_387 = arith.constant 0 : i32
          %dma_wait3A_388 = tpu.memref_slice %arg5[%add3A_386, %dma_wait3A_387] : memref<819200x64xf32, #tpu.memory_space<hbm>> -> memref<200x64xf32, #tpu.memory_space<hbm>>
          %dma_wait3A_389 = arith.constant 0 : i32
          %dma_wait3A_390 = tpu.memref_slice %arg5[%add3A_386, %dma_wait3A_389] : memref<819200x64xf32, #tpu.memory_space<hbm>> -> memref<200x64xf32, #tpu.memory_space<hbm>>
          tpu.wait_dma2 semaphore(%arg42 : memref<!tpu.dma_semaphore, #tpu.memory_space<semaphore_mem>>) src(%arg18 : memref<200x64xf32, #tpu.memory_space<vmem>>) dst(%dma_wait3A_390 : memref<200x64xf32, #tpu.memory_space<hbm>>)
        } else {
        }
        %add3A_370 = arith.constant 4 : i32
        %add3A_371 = arith.addi %add3A_333, %add3A_370 : i32
        %mul3A_372 = arith.constant 200 : i32
        %mul3A_373 = arith.muli %add3A_371, %mul3A_372 : i32
        %add3A_374 = arith.addi %mul3A_2, %mul3A_373 : i32
        %dma_wait3A_375 = tpu.memref_slice %arg2[%add3A_374] : memref<819200xi32, #tpu.memory_space<hbm>> -> memref<200xi32, #tpu.memory_space<hbm>>
        %dma_wait3A_376 = tpu.memref_slice %arg2[%add3A_374] : memref<819200xi32, #tpu.memory_space<hbm>> -> memref<200xi32, #tpu.memory_space<hbm>>
        tpu.wait_dma2 semaphore(%arg26 : memref<!tpu.dma_semaphore, #tpu.memory_space<semaphore_mem>>) src(%dma_wait3A_376 : memref<200xi32, #tpu.memory_space<hbm>>) dst(%arg10 : memref<200xi32, #tpu.memory_space<vmem>>)
        %dma_start3A_377 = arith.constant 0 : i32
        %dma_start3A_378 = arith.constant 0 : i32
        %dma_start3A_379 = tpu.memref_slice %arg3[%dma_start3A_377, %dma_start3A_378] : memref<100000x64xf32, #tpu.memory_space<hbm>> -> memref<100000x64xf32, #tpu.memory_space<hbm>>
        tpu.enqueue_indirect_dma source(%dma_start3A_379 : memref<100000x64xf32, #tpu.memory_space<hbm>>) target(%arg18 : memref<200x64xf32, #tpu.memory_space<vmem>>) offsets(%arg10 : memref<200xi32, #tpu.memory_space<vmem>>) semaphore(%arg34 : memref<!tpu.dma_semaphore, #tpu.memory_space<semaphore_mem>>)
      } else {
      }
      %dma_wait3A_341 = arith.constant 0 : i32
      %dma_wait3A_342 = arith.constant 0 : i32
      %dma_wait3A_343 = tpu.memref_slice %arg3[%dma_wait3A_341, %dma_wait3A_342] : memref<100000x64xf32, #tpu.memory_space<hbm>> -> memref<100000x64xf32, #tpu.memory_space<hbm>>
      tpu.wait_indirect_dma semaphore(%arg38 : memref<!tpu.dma_semaphore, #tpu.memory_space<semaphore_mem>>) src(%dma_wait3A_343 : memref<100000x64xf32, #tpu.memory_space<hbm>>) dst(%arg22 : memref<200x64xf32, #tpu.memory_space<vmem>>)
      %scan3A_344 = arith.constant 0 : i32
      %scan3A_345 = arith.constant 200 : i32
      %scan3A_346 = arith.addi %scan3A_344, %scan3A_345 : i32
      %scan3A_347 = arith.constant 1 : i32
      scf.for %scan3A_363 = %scan3A_344 to %scan3A_346 step %scan3A_347  : i32 {
        %mul3A_364 = arith.constant 1 : i32
        %mul3A_365 = arith.muli %scan3A_363, %mul3A_364 : i32
        %add3A_366 = arith.constant 0 : i32
        %add3A_367 = arith.addi %add3A_366, %mul3A_365 : i32
        %get3A = arith.index_cast %add3A_367 : i32 to index
        %get3A_368 = arith.constant 0 : index
        %get3A_369 = tpu.vector_load %arg6[%get3A, %get3A_368] {strides = array<i32>} : memref<200x64xf32, #tpu.memory_space<vmem>>, vector<1x16xf32>,
        %get3A_370 = vector.shape_cast %get3A_369 : vector<1x16xf32> to vector<16xf32>
        %get3A_371 = arith.index_cast %add3A_367 : i32 to index
        %get3A_372 = arith.constant 16 : index
        %get3A_373 = tpu.vector_load %arg6[%get3A_371, %get3A_372] {strides = array<i32>} : memref<200x64xf32, #tpu.memory_space<vmem>>, vector<1x16xf32>,
        %get3A_374 = vector.shape_cast %get3A_373 : vector<1x16xf32> to vector<16xf32>
        %get3A_375 = arith.index_cast %add3A_367 : i32 to index
        %get3A_376 = arith.constant 32 : index
        %get3A_377 = tpu.vector_load %arg6[%get3A_375, %get3A_376] {strides = array<i32>} : memref<200x64xf32, #tpu.memory_space<vmem>>, vector<1x16xf32>,
        %get3A_378 = vector.shape_cast %get3A_377 : vector<1x16xf32> to vector<16xf32>
        %get3A_379 = arith.index_cast %add3A_367 : i32 to index
        %get3A_380 = arith.constant 48 : index
        %get3A_381 = tpu.vector_load %arg6[%get3A_379, %get3A_380] {strides = array<i32>} : memref<200x64xf32, #tpu.memory_space<vmem>>, vector<1x16xf32>,
        %get3A_382 = vector.shape_cast %get3A_381 : vector<1x16xf32> to vector<16xf32>
        %swap3A = arith.index_cast %add3A_367 : i32 to index
        %swap3A_383 = arith.constant 0 : index
        %swap3A_384 = tpu.vector_load %arg22[%swap3A, %swap3A_383] {strides = array<i32>} : memref<200x64xf32, #tpu.memory_space<vmem>>, vector<1x16xf32>,
        %swap3A_385 = vector.shape_cast %swap3A_384 : vector<1x16xf32> to vector<16xf32>
        %swap3A_386 = vector.shape_cast %get3A_370 : vector<16xf32> to vector<1x16xf32>
        tpu.vector_store %arg22[%swap3A, %swap3A_383], %swap3A_386 {add = true, strides = array<i32>} : memref<200x64xf32, #tpu.memory_space<vmem>>, vector<1x16xf32>,
        %swap3A_387 = arith.index_cast %add3A_367 : i32 to index
        %swap3A_388 = arith.constant 16 : index
        %swap3A_389 = tpu.vector_load %arg22[%swap3A_387, %swap3A_388] {strides = array<i32>} : memref<200x64xf32, #tpu.memory_space<vmem>>, vector<1x16xf32>,
        %swap3A_390 = vector.shape_cast %swap3A_389 : vector<1x16xf32> to vector<16xf32>
        %swap3A_391 = vector.shape_cast %get3A_374 : vector<16xf32> to vector<1x16xf32>
        tpu.vector_store %arg22[%swap3A_387, %swap3A_388], %swap3A_391 {add = true, strides = array<i32>} : memref<200x64xf32, #tpu.memory_space<vmem>>, vector<1x16xf32>,
        %swap3A_392 = arith.index_cast %add3A_367 : i32 to index
        %swap3A_393 = arith.constant 32 : index
        %swap3A_394 = tpu.vector_load %arg22[%swap3A_392, %swap3A_393] {strides = array<i32>} : memref<200x64xf32, #tpu.memory_space<vmem>>, vector<1x16xf32>,
        %swap3A_395 = vector.shape_cast %swap3A_394 : vector<1x16xf32> to vector<16xf32>
        %swap3A_396 = vector.shape_cast %get3A_378 : vector<16xf32> to vector<1x16xf32>
        tpu.vector_store %arg22[%swap3A_392, %swap3A_393], %swap3A_396 {add = true, strides = array<i32>} : memref<200x64xf32, #tpu.memory_space<vmem>>, vector<1x16xf32>,
        %swap3A_397 = arith.index_cast %add3A_367 : i32 to index
        %swap3A_398 = arith.constant 48 : index
        %swap3A_399 = tpu.vector_load %arg22[%swap3A_397, %swap3A_398] {strides = array<i32>} : memref<200x64xf32, #tpu.memory_space<vmem>>, vector<1x16xf32>,
        %swap3A_400 = vector.shape_cast %swap3A_399 : vector<1x16xf32> to vector<16xf32>
        %swap3A_401 = vector.shape_cast %get3A_382 : vector<16xf32> to vector<1x16xf32>
        tpu.vector_store %arg22[%swap3A_397, %swap3A_398], %swap3A_401 {add = true, strides = array<i32>} : memref<200x64xf32, #tpu.memory_space<vmem>>, vector<1x16xf32>,
      }
      %scan3A_348 = arith.constant 200 : i32
      %mul3A_349 = arith.constant 200 : i32
      %mul3A_350 = arith.muli %add3A_333, %mul3A_349 : i32
      %add3A_351 = arith.addi %mul3A_2, %mul3A_350 : i32
      %dma_start3A_352 = arith.constant 0 : i32
      %dma_start3A_353 = tpu.memref_slice %arg5[%add3A_351, %dma_start3A_352] : memref<819200x64xf32, #tpu.memory_space<hbm>> -> memref<200x64xf32, #tpu.memory_space<hbm>>
      %dma_start3A_354 = arith.constant 0 : i32
      %dma_start3A_355 = tpu.memref_slice %arg5[%add3A_351, %dma_start3A_354] : memref<819200x64xf32, #tpu.memory_space<hbm>> -> memref<200x64xf32, #tpu.memory_space<hbm>>
      tpu.enqueue_dma source(%arg22 : memref<200x64xf32, #tpu.memory_space<vmem>>) target(%dma_start3A_355 : memref<200x64xf32, #tpu.memory_space<hbm>>) target_semaphore(%arg46 : memref<!tpu.dma_semaphore, #tpu.memory_space<semaphore_mem>>)
      %add3A_356 = arith.constant 8 : i32
      %add3A_357 = arith.addi %add3A_333, %add3A_356 : i32
      %lt3A_358 = arith.constant 128 : i32
      %lt3A_359 = arith.cmpi slt, %add3A_357, %lt3A_358 : i32
      %convert_element_type3A_360 = arith.extui %lt3A_359 : i1 to i32
      %cond3A_361 = arith.constant 0 : i32
      %cond3A_362 = arith.cmpi ne, %convert_element_type3A_360, %cond3A_361 : i32
      scf.if %cond3A_362 {
        %add3A_363 = arith.constant 8 : i32
        %add3A_364 = arith.addi %add3A_333, %add3A_363 : i32
        %mul3A_365 = arith.constant 200 : i32
        %mul3A_366 = arith.muli %add3A_364, %mul3A_365 : i32
        %add3A_367 = arith.addi %mul3A_2, %mul3A_366 : i32
        %dma_start3A_368 = tpu.memref_slice %arg2[%add3A_367] : memref<819200xi32, #tpu.memory_space<hbm>> -> memref<200xi32, #tpu.memory_space<hbm>>
        %dma_start3A_369 = tpu.memref_slice %arg2[%add3A_367] : memref<819200xi32, #tpu.memory_space<hbm>> -> memref<200xi32, #tpu.memory_space<hbm>>
        tpu.enqueue_dma source(%dma_start3A_369 : memref<200xi32, #tpu.memory_space<hbm>>) target(%arg14 : memref<200xi32, #tpu.memory_space<vmem>>) target_semaphore(%arg30 : memref<!tpu.dma_semaphore, #tpu.memory_space<semaphore_mem>>)
      } else {
      }
    }
    %scan3A_64 = arith.constant 16 : i32
    %add3A_65 = arith.constant 24000 : i32
    %add3A_66 = arith.addi %mul3A_2, %add3A_65 : i32
    %dma_wait3A_67 = arith.constant 0 : i32
    %dma_wait3A_68 = tpu.memref_slice %arg5[%add3A_66, %dma_wait3A_67] : memref<819200x64xf32, #tpu.memory_space<hbm>> -> memref<200x64xf32, #tpu.memory_space<hbm>>
    %dma_wait3A_69 = arith.constant 0 : i32
    %dma_wait3A_70 = tpu.memref_slice %arg5[%add3A_66, %dma_wait3A_69] : memref<819200x64xf32, #tpu.memory_space<hbm>> -> memref<200x64xf32, #tpu.memory_space<hbm>>
    tpu.wait_dma2 semaphore(%arg39 : memref<!tpu.dma_semaphore, #tpu.memory_space<semaphore_mem>>) src(%arg15 : memref<200x64xf32, #tpu.memory_space<vmem>>) dst(%dma_wait3A_70 : memref<200x64xf32, #tpu.memory_space<hbm>>)
    %add3A_71 = arith.constant 24200 : i32
    %add3A_72 = arith.addi %mul3A_2, %add3A_71 : i32
    %dma_wait3A_73 = arith.constant 0 : i32
    %dma_wait3A_74 = tpu.memref_slice %arg5[%add3A_72, %dma_wait3A_73] : memref<819200x64xf32, #tpu.memory_space<hbm>> -> memref<200x64xf32, #tpu.memory_space<hbm>>
    %dma_wait3A_75 = arith.constant 0 : i32
    %dma_wait3A_76 = tpu.memref_slice %arg5[%add3A_72, %dma_wait3A_75] : memref<819200x64xf32, #tpu.memory_space<hbm>> -> memref<200x64xf32, #tpu.memory_space<hbm>>
    tpu.wait_dma2 semaphore(%arg40 : memref<!tpu.dma_semaphore, #tpu.memory_space<semaphore_mem>>) src(%arg16 : memref<200x64xf32, #tpu.memory_space<vmem>>) dst(%dma_wait3A_76 : memref<200x64xf32, #tpu.memory_space<hbm>>)
    %add3A_77 = arith.constant 24400 : i32
    %add3A_78 = arith.addi %mul3A_2, %add3A_77 : i32
    %dma_wait3A_79 = arith.constant 0 : i32
    %dma_wait3A_80 = tpu.memref_slice %arg5[%add3A_78, %dma_wait3A_79] : memref<819200x64xf32, #tpu.memory_space<hbm>> -> memref<200x64xf32, #tpu.memory_space<hbm>>
    %dma_wait3A_81 = arith.constant 0 : i32
    %dma_wait3A_82 = tpu.memref_slice %arg5[%add3A_78, %dma_wait3A_81] : memref<819200x64xf32, #tpu.memory_space<hbm>> -> memref<200x64xf32, #tpu.memory_space<hbm>>
    tpu.wait_dma2 semaphore(%arg41 : memref<!tpu.dma_semaphore, #tpu.memory_space<semaphore_mem>>) src(%arg17 : memref<200x64xf32, #tpu.memory_space<vmem>>) dst(%dma_wait3A_82 : memref<200x64xf32, #tpu.memory_space<hbm>>)
    %add3A_83 = arith.constant 24600 : i32
    %add3A_84 = arith.addi %mul3A_2, %add3A_83 : i32
    %dma_wait3A_85 = arith.constant 0 : i32
    %dma_wait3A_86 = tpu.memref_slice %arg5[%add3A_84, %dma_wait3A_85] : memref<819200x64xf32, #tpu.memory_space<hbm>> -> memref<200x64xf32, #tpu.memory_space<hbm>>
    %dma_wait3A_87 = arith.constant 0 : i32
    %dma_wait3A_88 = tpu.memref_slice %arg5[%add3A_84, %dma_wait3A_87] : memref<819200x64xf32, #tpu.memory_space<hbm>> -> memref<200x64xf32, #tpu.memory_space<hbm>>
    tpu.wait_dma2 semaphore(%arg42 : memref<!tpu.dma_semaphore, #tpu.memory_space<semaphore_mem>>) src(%arg18 : memref<200x64xf32, #tpu.memory_space<vmem>>) dst(%dma_wait3A_88 : memref<200x64xf32, #tpu.memory_space<hbm>>)
    %add3A_89 = arith.constant 24800 : i32
    %add3A_90 = arith.addi %mul3A_2, %add3A_89 : i32
    %dma_wait3A_91 = arith.constant 0 : i32
    %dma_wait3A_92 = tpu.memref_slice %arg5[%add3A_90, %dma_wait3A_91] : memref<819200x64xf32, #tpu.memory_space<hbm>> -> memref<200x64xf32, #tpu.memory_space<hbm>>
    %dma_wait3A_93 = arith.constant 0 : i32
    %dma_wait3A_94 = tpu.memref_slice %arg5[%add3A_90, %dma_wait3A_93] : memref<819200x64xf32, #tpu.memory_space<hbm>> -> memref<200x64xf32, #tpu.memory_space<hbm>>
    tpu.wait_dma2 semaphore(%arg43 : memref<!tpu.dma_semaphore, #tpu.memory_space<semaphore_mem>>) src(%arg19 : memref<200x64xf32, #tpu.memory_space<vmem>>) dst(%dma_wait3A_94 : memref<200x64xf32, #tpu.memory_space<hbm>>)
    %add3A_95 = arith.constant 25000 : i32
    %add3A_96 = arith.addi %mul3A_2, %add3A_95 : i32
    %dma_wait3A_97 = arith.constant 0 : i32
    %dma_wait3A_98 = tpu.memref_slice %arg5[%add3A_96, %dma_wait3A_97] : memref<819200x64xf32, #tpu.memory_space<hbm>> -> memref<200x64xf32, #tpu.memory_space<hbm>>
    %dma_wait3A_99 = arith.constant 0 : i32
    %dma_wait3A_100 = tpu.memref_slice %arg5[%add3A_96, %dma_wait3A_99] : memref<819200x64xf32, #tpu.memory_space<hbm>> -> memref<200x64xf32, #tpu.memory_space<hbm>>
    tpu.wait_dma2 semaphore(%arg44 : memref<!tpu.dma_semaphore, #tpu.memory_space<semaphore_mem>>) src(%arg20 : memref<200x64xf32, #tpu.memory_space<vmem>>) dst(%dma_wait3A_100 : memref<200x64xf32, #tpu.memory_space<hbm>>)
    %add3A_101 = arith.constant 25200 : i32
    %add3A_102 = arith.addi %mul3A_2, %add3A_101 : i32
    %dma_wait3A_103 = arith.constant 0 : i32
    %dma_wait3A_104 = tpu.memref_slice %arg5[%add3A_102, %dma_wait3A_103] : memref<819200x64xf32, #tpu.memory_space<hbm>> -> memref<200x64xf32, #tpu.memory_space<hbm>>
    %dma_wait3A_105 = arith.constant 0 : i32
    %dma_wait3A_106 = tpu.memref_slice %arg5[%add3A_102, %dma_wait3A_105] : memref<819200x64xf32, #tpu.memory_space<hbm>> -> memref<200x64xf32, #tpu.memory_space<hbm>>
    tpu.wait_dma2 semaphore(%arg45 : memref<!tpu.dma_semaphore, #tpu.memory_space<semaphore_mem>>) src(%arg21 : memref<200x64xf32, #tpu.memory_space<vmem>>) dst(%dma_wait3A_106 : memref<200x64xf32, #tpu.memory_space<hbm>>)
    %add3A_107 = arith.constant 25400 : i32
    %add3A_108 = arith.addi %mul3A_2, %add3A_107 : i32
    %dma_wait3A_109 = arith.constant 0 : i32
    %dma_wait3A_110 = tpu.memref_slice %arg5[%add3A_108, %dma_wait3A_109] : memref<819200x64xf32, #tpu.memory_space<hbm>> -> memref<200x64xf32, #tpu.memory_space<hbm>>
    %dma_wait3A_111 = arith.constant 0 : i32
    %dma_wait3A_112 = tpu.memref_slice %arg5[%add3A_108, %dma_wait3A_111] : memref<819200x64xf32, #tpu.memory_space<hbm>> -> memref<200x64xf32, #tpu.memory_space<hbm>>
    tpu.wait_dma2 semaphore(%arg46 : memref<!tpu.dma_semaphore, #tpu.memory_space<semaphore_mem>>) src(%arg22 : memref<200x64xf32, #tpu.memory_space<vmem>>) dst(%dma_wait3A_112 : memref<200x64xf32, #tpu.memory_space<hbm>>)
    return
  }
}

</mosaic_0001>

<sc_bundles>
// kernel: kernel.3.cloned.1.call-start
scs
__scs_entry_jumppad:
0x0: {  	(pc) =	sbr.rel $0x88, $3  }
0x1: {  	(tag) =	ssettag $0x0;
	lr =	simm.s32 $0x1  }
0x2: {  	[smem:$0x3F9E] =	sst lr;
	_ =	strace $0xD0000000  }
0x3: {  	_ = 	snop  }
0x4: {  	_ = 	snop  }
0x5: {  	_ = 	snop  }
0x6: {  	_ = 	snop  }
0x7: {  	_ = 	snop  }
__scs_overlays_trampoline_lowered:
0x8: {  	[smem:$0x3FAD] =	sst s0  }
0x9: {  	[smem:$0x3FAE] =	sst s1  }
0xa: {  	[smem:$0x3FAF] =	sst s2  }
0xb: {  	[smem:$0x3FB0] =	sst s3  }
0xc: {  	[smem:$0x3FB1] =	sst s4  }
0xd: {  	[smem:$0x3FB2] =	sst s5  }
0xe: {  	[smem:$0x3FB3] =	sst s6  }
0xf: {  	[smem:$0x3FB4] =	sst s7  }
0x10: {  	[smem:$0x3FB5] =	sst s8  }
0x11: {  	[smem:$0x3FB6] =	sst s9;
	s0 =	simm.s32 @!p0 $0x0  }
0x12: {  	s1 =	sld [smem:$0x3F9C];
	s0 =	simm.s32 @p0 $0x1  }
0x13: {  	[smem:$0x3FB7] =	sst s0;
	s0 =	simm.s32 @!p1 $0x0  }
0x14: {  	s2 =	sld [smem:$0x3F9B];
	s0 =	simm.s32 @p1 $0x1  }
0x15: {  	[smem:$0x3FB8] =	sst s0;
	s0 =	simm.s32 @!p2 $0x0  }
0x16: {  	s3 =	sld [smem:$0x3FDB];
	s0 =	simm.s32 @p2 $0x1  }
0x17: {  	s4 =	simm.s32 $0x1BF5;
	[smem:$0x3FBA] =	sst s0  }
0x18: {  	s0 =	sld [smem:$0x3F9D];
	_ =	swait.ge [sflag:s4], $0x0  }
0x19: {  	s7 =	sld [smem:$0x3F9E]  }
0x1a: {  	s8 =	sadd.s32 $0xFFFFE003, lr  }
0x1b: {  	s9 =	sadd.s32 $0xFFFFFEF7, lr;
	s5 =	simm.s32 $0xFFFFFFFF;
	p2 =	slt.u32 s8, $0xFFFFF086  }
0x1c: {  	p1 =	slt.u32 s9, $0xF7A;
	s5 =	simm.s32 @!p2 $0x0  }
0x1d: {  	s5 =	simm.s32 @p1 $0x1;
	p0 =	seq.s32 s7, s2  }
0x1e: {  	s7 =	smul.u32 @!p0 $0xF7A, s2;
	p2 =	seq.s32 @!p0 s5, $0x0  }
0x1f: {  	s9 =	smul.u32 $0xF7A, s1;
	s8 =	simm.s32 @!p0 $0x1BF5;
	p2 =	por !p2, p0  }
0x20: {  	[sflag:s8] =	ssyncset.s32 @!p0 $0xFFFFF086;
	s6 =	sadd.s32 @!p0 s3, s7;
	s7 =	simm.s32 @!p0 $0x108  }
0x21: {  	s3 =	sadd.s32 s3, s9;
	s6 =	sadd.s32 @!p0 $0x88, s6;
	s7 =	simm.s32 @p2 $0x1082  }
0x22: {  	[simem:s7], [sflag:s8] =	dma.local @!p0 [hbm:s6], $0xF7A  }
0x23: {  	s9 =	sor.u32 $0xD0000000, s2;
	s6 =	simm.s32 $0x108;
	_ =	swait.ge @!p0 [sflag:s8], $0x0  }
0x24: {  	s3 =	sadd.s32 $0x88, s3;
	s6 =	simm.s32 @!p1 $0x1082;
	[sflag:s4] =	ssyncset.s32 $0xFFFFF086  }
0x25: {  	[simem:s6], [sflag:s4] =	dma.local [hbm:s3], $0xF7A  }
0x26: {  	[smem:$0x3F9E] =	sst s1;
	(tag) =	ssettag s2;
	_ =	strace s9  }
0x27: {  	s1 =	sld [smem:$0x3FAE]  }
0x28: {  	s2 =	sld [smem:$0x3FAF]  }
0x29: {  	s4 =	sld [smem:$0x3FB1]  }
0x2a: {  	p0 =	seq.s32 s5, $0x0;
	s5 =	sld [smem:$0x3FB2]  }
0x2b: {  	s6 =	sld [smem:$0x3FB3]  }
0x2c: {  	s7 =	sld [smem:$0x3FB4]  }
0x2d: {  	s3 =	simm.s32 $0x108;
	s8 =	sld [smem:$0x3FB5]  }
0x2e: {  	s3 =	simm.s32 @!p0 $0x1082;
	s9 =	sld [smem:$0x3FB6]  }
0x2f: {  	lr =	sadd.s32 s0, s3;
	s0 =	sld [smem:$0x3FAD]  }
0x30: {  	s3 =	sld [smem:$0x3FB0]  }
0x31: {  	[smem:$0x3FB9] =	sst s10  }
0x32: {  	s10 =	sld [smem:$0x3FB7];
	_ =	sdelay $0x3  }
0x33: {  	p0 =	seq.s32 s10, $0x1;
	s10 =	sld [smem:$0x3FB9];
	_ =	sdelay $0x3  }
0x34: {  	[smem:$0x3FB9] =	sst s10  }
0x35: {  	s10 =	sld [smem:$0x3FB8];
	_ =	sdelay $0x3  }
0x36: {  	p1 =	seq.s32 s10, $0x1;
	s10 =	sld [smem:$0x3FB9];
	_ =	sdelay $0x3  }
0x37: {  	[smem:$0x3FB9] =	sst s10  }
0x38: {  	s10 =	sld [smem:$0x3FBA]  }
0x39: {  	_ = 	snop;
	(pc) =	sbr.ind lr, $3  }
0x3a: {  	_ = 	snop  }
0x3b: {  	_ = 	snop  }
0x3c: {  	p2 =	seq.s32 s10, $0x1;
	s10 =	sld [smem:$0x3FB9]  }
0x3d: {  	_ =	shalt  }
0x3e: {  	_ =	shalt  }
0x3f: {  	_ =	shalt  }
0x40: {  	_ =	shalt  }
0x41: {  	_ =	shalt  }
0x42: {  	_ =	shalt  }
0x43: {  	_ =	shalt  }
0x44: {  	_ =	shalt  }
0x45: {  	_ =	shalt  }
0x46: {  	_ =	shalt  }
0x47: {  	_ =	shalt  }
0x48: {  	_ =	shalt  }
0x49: {  	_ =	shalt  }
0x4a: {  	_ =	shalt  }
0x4b: {  	_ =	shalt  }
0x4c: {  	_ =	shalt  }
0x4d: {  	_ =	shalt  }
0x4e: {  	_ =	shalt  }
0x4f: {  	_ =	shalt  }
0x50: {  	_ =	shalt  }
0x51: {  	_ =	shalt  }
0x52: {  	_ =	shalt  }
0x53: {  	_ =	shalt  }
0x54: {  	_ =	shalt  }
0x55: {  	_ =	shalt  }
0x56: {  	_ =	shalt  }
0x57: {  	_ =	shalt  }
0x58: {  	_ =	shalt  }
0x59: {  	_ =	shalt  }
0x5a: {  	_ =	shalt  }
0x5b: {  	_ =	shalt  }
0x5c: {  	_ =	shalt  }
0x5d: {  	_ =	shalt  }
0x5e: {  	_ =	shalt  }
0x5f: {  	_ =	shalt  }
0x60: {  	_ =	shalt  }
0x61: {  	_ =	shalt  }
0x62: {  	_ =	shalt  }
0x63: {  	_ =	shalt  }
0x64: {  	_ =	shalt  }
0x65: {  	_ =	shalt  }
0x66: {  	_ =	shalt  }
0x67: {  	_ =	shalt  }
0x68: {  	_ =	shalt  }
0x69: {  	_ =	shalt  }
0x6a: {  	_ =	shalt  }
0x6b: {  	_ =	shalt  }
0x6c: {  	_ =	shalt  }
0x6d: {  	_ =	shalt  }
0x6e: {  	_ =	shalt  }
0x6f: {  	_ =	shalt  }
0x70: {  	_ =	shalt  }
0x71: {  	_ =	shalt  }
0x72: {  	_ =	shalt  }
0x73: {  	_ =	shalt  }
0x74: {  	_ =	shalt  }
0x75: {  	_ =	shalt  }
0x76: {  	_ =	shalt  }
0x77: {  	_ =	shalt  }
0x78: {  	_ =	shalt  }
0x79: {  	_ =	shalt  }
0x7a: {  	_ =	shalt  }
0x7b: {  	_ =	shalt  }
0x7c: {  	_ =	shalt  }
0x7d: {  	_ =	shalt  }
0x7e: {  	_ =	shalt  }
0x7f: {  	_ =	shalt  }
0x80: {  	_ =	shalt  }
0x81: {  	_ =	shalt  }
0x82: {  	_ =	shalt  }
0x83: {  	_ =	shalt  }
0x84: {  	_ =	shalt  }
0x85: {  	_ =	shalt  }
0x86: {  	_ =	shalt  }
0x87: {  	_ =	shalt  }
.Lfunc_end0:
.L_simem_size_0:
called_computation.1_lowered:
.L_overlay_start_0:
0x88: {  	s2 =	sld [smem:$0x3FD9]  }
0x89: {  	s3 =	sld [smem:$0x3FFE];
	_ =	sdelay $0x1  }
0x8a: {  	s1 =	srdreg.scid  }
0x8b: {  	s0 =	sand.u32 $0x1, s1  }
0x8c: {  	s17 =	sshll.u32 s0, $0xA;
	s2 =	sadd.s32 s3, s2  }
0x8d: {  	s2 =	sadd.s32 s2, s17  }
0x8e: {  	[smem:$0x3FC5] =	sst s2  }
0x8f: {  	_ = 	snop  }
0x90: {  	s2 =	sld [smem:$0x3FD0];
	(tm) =	ssettm $0x1  }
0x91: {  	s18 =	sld [smem:$0x3FFB];
	_ =	sdelay $0x3  }
0x92: {  	_ =	strace s18  }
0x93: {  	s3 =	sld [smem:$0x3FFC];
	_ =	sdelay $0x3  }
0x94: {  	_ =	strace s3  }
0x95: {  	s3 =	sld [smem:$0x3FFD];
	_ =	sdelay $0x3  }
0x96: {  	_ =	strace s3  }
0x97: {  	_ =	strace $0x8FFFFFFF  }
0x98: {  	s19 =	sld [smem:$0x3FDB];
	_ =	sdelay $0x1  }
0x99: {  	s4 =	simm.s32 $_scs_section_size  }
0x9a: {  	s5 =	simm.s32 $_size__tile_overlayer_lowered;
	s6 =	simm.s32 $_tile_overlayer_lowered  }
0x9b: {  	s22 =	simm.s32 $0x1BFF;
	s21 =	sshll.u32 s6, $0x1;
	s3 =	sadd.s32 s4, s19  }
0x9c: {  	s7 =	simm.s32 $0x0;
	s20 =	sshll.u32 s5, $0x1;
	s5 =	sadd.s32 s21, s3  }
0x9d: {  	[timem:s7], [sflag:s22] =	dma.local [hbm:s5], s20  }
0x9e: {  	_ =	swait.ge [sflag:s22], s20  }
0x9f: {  	s4 =	ssub.s32 $0x0, s20;
	[sflag:s22] =	ssyncset.done $0x0  }
0xa0: {  	[sflag:s22] =	ssyncadd.s32 s4;
	_ =	sdelay $0x1  }
0xa1: {  	s23 =	simm.s32 $0x1B8B  }
0xa2: {  	_ =	swait.ge [sflag:s23], $0x1  }
0xa3: {  	[sflag:s23] =	ssyncset.done $0x0  }
0xa4: {  	s25 =	simm.s32 $0x1B8E;
	s24 =	sld [smem:$0x3FFE];
	[sflag:s23] =	ssyncadd.s32 $0xFFFFFFFF  }
0xa5: {  	s26 =	simm.s32 $execute0_lowered;
	[smem:$0x3FD2] =	sst s25  }
0xa6: {  	s5 =	sshll.u32 s26, $0x1;
	_ =	strace $0x80000046;
	[dreg:$0x1] =	wrdreg $0xFFFFFFFF  }
0xa7: {  	s28 =	simm.s32 $_size_execute0_lowered;
	s3 =	sadd.s32 s3, s5;
	[dreg:$0x0] =	wrdreg $0x0  }
0xa8: {  	s5 =	sshll.u32 s28, $0x1;
	[dreg:$0x2] =	wrdreg s3  }
0xa9: {  	[dreg:$0x3] =	wrdreg s5  }
0xaa: {  	[dreg:$0x4] =	wrdreg $0xC0  }
0xab: {  	_ =	task [dreg:s7], $0x5FFFF  }
0xac: {  	[dreg:$0x1] =	wrdreg $0xFFFFFFFF  }
0xad: {  	[dreg:$0x0] =	wrdreg $0x60  }
0xae: {  	[dreg:$0x2] =	wrdreg s24  }
0xaf: {  	[dreg:$0x3] =	wrdreg s2  }
0xb0: {  	[dreg:$0x4] =	wrdreg $0x9  }
0xb1: {  	_ =	task.clear_ibuf [dreg:s7], $0x5FFFF;
	_ =	strace $0x90000046  }
0xb2: {  	s29 =	simm.s32 $0x9;
	_ =	strace $0x80000048  }
0xb3: {  	_ =	swait.ge [sflag:s29], $0x1  }
0xb4: {  	[sflag:s29] =	ssyncadd.s32 $0xFFFFFFFF  }
0xb5: {  	_ =	strace $0x90000048  }
0xb6: {  	_ =	sfence  }
0xb7: {  	s30 =	sld [smem:$0x0];
	_ =	sdelay $0x2  }
0xb8: {  	s31 =	sshll.u32 s1, $0xD;
	s1 =	sshrl.u32 s1, $0x2  }
0xb9: {  	s3 =	sand.u32 $0x4000, s31;
	s1 =	sadd.s32 s1, s30  }
0xba: {  	s0 =	sor.u32 s3, s0;
	s1 =	sshll.u32 s1, $0x11  }
0xbb: {  	s0 =	sor.u32 s1, s0  }
0xbc: {  	s0 =	sadd.s32 $0x8F2B, s0  }
0xbd: {  	[sflag:s0] =	ssyncadd.remote.s32 $0x1  }
0xbe: {  	_ =	sfence.sel $0xFFFF  }
0xbf: {  	[dreg:$0x0] =	wrdreg $0xFFFFFFFF;
	(pc) =	sbr.abs _section_cstart, $3  }
0xc0: {  	[dreg:$0x1] =	wrdreg $0xFFFFFFFF  }
0xc1: {  	_ =	task.clear_ibuf [dreg:s7], $0x2FFFF;
	_ =	strace $0x9FFFFFFF  }
0xc2: {  	(tm) =	ssettm $0x7FFFFFFF  }
0xc3: {  	_ =	shalt  }
tec
execute0_lowered:
.L_overlay_start_1:
0x0: {  	(tag) =	ssettag $0x1  }
0x1: {  	s1 =	srdreg.scid;
	s3 =	stileid.u32  }
0x2: {  	s0 =	rddreg [dreg:$0x0];
	s1 =	sand.u32 $0x1, s1;
	s4 =	sshll.u32 s3, $0x1  }
0x3: {  	s2 =	rddreg [dreg:$0x1];
	s4 =	sor.u32 s1, s4  }
0x4: {  	s3 =	simm.s32 $0x0;
	s5 =	sadd.s32 $0x1000, s0;
	s7 =	smul.u32 $0x6400, s4  }
0x5: {  	s6 =	sadd.s32 $0x1A000, s0;
	s0 =	sadd.s32 $0x800, s0;
	[smem:$0x7FF] =	sst s3  }
0x6: {  	_ =	strace $0x80000047;
	[dreg:$0x3] =	wrdreg s0;
	s14 =	sadd.s32 $0x4B0, s7  }
0x7: {  	s15 =	sadd.s32 $0x578, s7;
	[dreg:$0x8] =	wrdreg s14  }
0x8: {  	s17 =	sadd.s32 $0x640, s7;
	[dreg:$0x9] =	wrdreg s15  }
0x9: {  	s18 =	sor.u32 $0xC8, s7;
	[dreg:$0xe] =	wrdreg s17  }
0xa: {  	s19 =	sadd.s32 $0x708, s7;
	[dreg:$0xf] =	wrdreg s18  }
0xb: {  	s20 =	sor.u32 $0x190, s7;
	[dreg:$0x10] =	wrdreg s19  }
0xc: {  	s1 =	ssub.s32 $0x2, s1;
	s21 =	sadd.s32 $0x7D0, s7;
	[dreg:$0x11] =	wrdreg s20  }
0xd: {  	s10 =	sshrl.u32 s1, $0x1;
	s22 =	sor.u32 $0x258, s7;
	[dreg:$0x12] =	wrdreg s21  }
0xe: {  	s0 =	ssub.s32 s1, s10;
	s23 =	sadd.s32 $0x898, s7;
	[dreg:$0x13] =	wrdreg s22  }
0xf: {  	s0 =	smax.u32 s0, $0x1;
	[dreg:$0x14] =	wrdreg s23  }
0x10: {  	s24 =	sor.u32 $0x320, s7;
	[dreg:$0x15] =	wrdreg s0  }
0x11: {  	s10 =	simm.s32 $0xA;
	s25 =	sadd.s32 $0x960, s7;
	[dreg:$0x16] =	wrdreg s24  }
0x12: {  	s4 =	sshrl.u32 s7, $0x3;
	s26 =	sor.u32 $0x3E8, s7;
	[dreg:$0x17] =	wrdreg s25  }
0x13: {  	s28 =	sadd.s32 $0xA28, s7;
	s29 =	sadd.s32 $0xAF0, s7;
	[dreg:$0x18] =	wrdreg s26  }
0x14: {  	s31 =	smov.u32 s7;
	s30 =	sadd.s32 $0xBB8, s7;
	[dreg:$0x19] =	wrdreg s28  }
0x15: {  	s7 =	simm.s32 $0x10040;
	s8 =	sadd.s32 s5, s4;
	[dreg:$0x1a] =	wrdreg s29  }
0x16: {  	s1 =	sshrl.u32 s14, $0x3;
	s4 =	sshrl.u32 s15, $0x3;
	[dreg:$0x1b] =	wrdreg s30  }
0x17: {  	s17 =	simm.s32 $0x3778;
	s14 =	simm.s32 $0x9;
	s15 =	simm.s32 $0x6  }
0x18: {  	s0 =	simm.s32 $0x16440;
	s25 =	simm.s32 $0xB;
	s18 =	simm.s32 $0xE  }
0x19: {  	s19 =	simm.s32 $0xF;
	s11 =	sadd.s32 $0x19, s8;
	[dreg:$0x4] =	wrdreg s8  }
0x1a: {  	s20 =	simm.s32 $0x10;
	s12 =	sadd.s32 $0x32, s8;
	[dreg:$0x5] =	wrdreg s11  }
0x1b: {  	s21 =	simm.s32 $0x16;
	s13 =	sadd.s32 $0x4B, s8;
	[dreg:$0x6] =	wrdreg s12  }
0x1c: {  	s22 =	simm.s32 $0x17;
	s9 =	sadd.s32 $0x64, s8;
	[dreg:$0x7] =	wrdreg s13  }
0x1d: {  	s23 =	simm.s32 $0x18;
	s8 =	sadd.s32 $0x7D, s8;
	[dreg:$0xa] =	wrdreg s9  }
.Ltmp0:
0x1e: {  	s1 =	sadd.s32 s5, s1;
	[dreg:$0xb] =	wrdreg s8;
	(pc) =	sbr.rel .LBB2_1-.Ltmp0, $4  }
0x1f: {  	s26 =	simm.s32 $0x0;
	s16 =	sadd.s32 s5, s4;
	[dreg:$0xc] =	wrdreg s1  }
0x20: {  	s4 =	simm.s32 $0x8;
	[dreg:$0xd] =	wrdreg s16;
	s9 =	simm.s32 $0xC8  }
0x21: {  	s8 =	simm.s32 $0x5;
	s16 =	simm.s32 $0x13240;
	s11 =	simm.s32 $0x7  }
0x22: {  	s1 =	simm.s32 $0x19640;
	s12 =	simm.s32 $0xC;
	s13 =	simm.s32 $0xD  }
.LBB2_20:
0x23: {  	s24 =	simm.s32 $0x11  }
0x24: {  	_ =	swait.ge [sflag:s24], $0x3200  }
0x25: {  	[sflag:s24] =	ssyncset.done $0x0  }
0x26: {  	s30 =	simm.s32 $0x12;
	[sflag:s24] =	ssyncadd.s32 $0xFFFFCE00  }
0x27: {  	_ =	swait.ge [sflag:s30], $0x3200  }
0x28: {  	[sflag:s30] =	ssyncset.done $0x0  }
0x29: {  	s26 =	simm.s32 $0x13;
	[sflag:s30] =	ssyncadd.s32 $0xFFFFCE00  }
0x2a: {  	_ =	swait.ge [sflag:s26], $0x3200  }
0x2b: {  	[sflag:s26] =	ssyncset.done $0x0  }
0x2c: {  	s28 =	simm.s32 $0x14;
	[sflag:s26] =	ssyncadd.s32 $0xFFFFCE00  }
0x2d: {  	_ =	swait.ge [sflag:s28], $0x3200  }
0x2e: {  	[sflag:s28] =	ssyncset.done $0x0  }
0x2f: {  	s29 =	simm.s32 $0x15;
	[sflag:s28] =	ssyncadd.s32 $0xFFFFCE00  }
0x30: {  	_ =	swait.ge [sflag:s29], $0x3200  }
0x31: {  	[sflag:s29] =	ssyncset.done $0x0  }
0x32: {  	[sflag:s29] =	ssyncadd.s32 $0xFFFFCE00  }
0x33: {  	_ =	swait.ge [sflag:s21], $0x3200  }
0x34: {  	[sflag:s21] =	ssyncset.done $0x0  }
0x35: {  	[sflag:s21] =	ssyncadd.s32 $0xFFFFCE00  }
0x36: {  	_ =	swait.ge [sflag:s22], $0x3200  }
0x37: {  	[sflag:s22] =	ssyncset.done $0x0  }
0x38: {  	[sflag:s22] =	ssyncadd.s32 $0xFFFFCE00  }
0x39: {  	_ =	swait.ge [sflag:s23], $0x3200  }
0x3a: {  	s26 =	rddreg [dreg:$0x1c]  }
0x3b: {  	s30 =	rddreg [dreg:$0x15];
	s26 =	sadd.s32 $0x1, s26  }
0x3c: {  	p0 =	sne.s32 s26, s30  }
.Ltmp1:
0x3d: {  	_ = 	snop;
	(pc) =	sbr.rel @!p0 .LBB2_21-.Ltmp1, $3  }
0x3e: {  	_ =	sdelay $0x1  }
0x3f: {  	[sflag:s23] =	ssyncset.done $0x0  }
0x40: {  	[sflag:s23] =	ssyncadd.s32 $0xFFFFCE00  }
.LBB2_1:
0x41: {  	[dreg:$0x1c] =	wrdreg s26  }
0x42: {  	s24 =	rddreg [dreg:$0x3];
	s26 =	simm.s32 $0x19  }
0x43: {  	[tilespmem:s3], [sflag:$0x19] =	stream.linear.gather [hbm4b:s24+s3], $0x3200, $0x38;
	[tilespmem:$0x1C840] =	vst v63  }
0x44: {  	_ =	swait.ge [sflag:s26], $0x3200  }
0x45: {  	[sflag:s26] =	ssyncset.done $0x0  }
0x46: {  	s28 =	rddreg [dreg:$0x4];
	[sflag:s26] =	ssyncadd.s32 $0xFFFFCE00;
	s26 =	simm.s32 $0x3200  }
0x47: {  	[tilespmem:s26], [sflag:$0x1] =	stream.linear.gather [hbm4b:s28+s3], $0xC8, $0x38;
	[tilespmem:$0x1C840] =	vst v63  }
0x48: {  	s29 =	rddreg [dreg:$0x5];
	s28 =	simm.s32 $0x32C8  }
0x49: {  	[tilespmem:s28], [sflag:$0x2] =	stream.linear.gather [hbm4b:s29+s3], $0xC8, $0x38;
	[tilespmem:$0x1C840] =	vst v63  }
0x4a: {  	s30 =	rddreg [dreg:$0x6];
	s29 =	simm.s32 $0x3390  }
0x4b: {  	[tilespmem:s29], [sflag:$0x3] =	stream.linear.gather [hbm4b:s30+s3], $0xC8, $0x38;
	[tilespmem:$0x1C840] =	vst v63  }
0x4c: {  	s24 =	rddreg [dreg:$0x7];
	s30 =	simm.s32 $0x3458  }
0x4d: {  	[tilespmem:s30], [sflag:$0x4] =	stream.linear.gather [hbm4b:s24+s3], $0xC8, $0x38;
	[tilespmem:$0x1C840] =	vst v63  }
0x4e: {  	s24 =	rddreg [dreg:$0xa];
	s30 =	simm.s32 $0x3520  }
0x4f: {  	[tilespmem:s30], [sflag:$0x5] =	stream.linear.gather [hbm4b:s24+s3], $0xC8, $0x38;
	[tilespmem:$0x1C840] =	vst v63  }
0x50: {  	s24 =	rddreg [dreg:$0xb];
	s30 =	simm.s32 $0x35E8  }
0x51: {  	[tilespmem:s30], [sflag:$0x6] =	stream.linear.gather [hbm4b:s24+s3], $0xC8, $0x38;
	[tilespmem:$0x1C840] =	vst v63  }
0x52: {  	s24 =	rddreg [dreg:$0xc];
	s30 =	simm.s32 $0x36B0  }
0x53: {  	[tilespmem:s30], [sflag:$0x7] =	stream.linear.gather [hbm4b:s24+s3], $0xC8, $0x38;
	[tilespmem:$0x1C840] =	vst v63  }
0x54: {  	s30 =	rddreg [dreg:$0xd]  }
0x55: {  	[tilespmem:s17], [sflag:$0x8] =	stream.linear.gather [hbm4b:s30+s3], $0xC8, $0x38;
	[tilespmem:$0x1C840] =	vst v63  }
0x56: {  	s30 =	simm.s32 $0x1  }
0x57: {  	_ =	swait.ge [sflag:s30], $0xC8  }
0x58: {  	[sflag:s30] =	ssyncset.done $0x0  }
0x59: {  	[sflag:s30] =	ssyncadd.s32 $0xFFFFFF38;
	s30 =	simm.s32 $0x3840  }
0x5a: {  	[tilespmem:s30], [sflag:$0x9] =	stream.indirect.gather [hbm4b:s6+s9], $0x40, s26, s9, $0xb8;
	[tilespmem:$0x1C840] =	vst v63  }
0x5b: {  	s30 =	simm.s32 $0x2  }
0x5c: {  	_ =	swait.ge [sflag:s30], $0xC8  }
0x5d: {  	[sflag:s30] =	ssyncset.done $0x0  }
0x5e: {  	s26 =	simm.s32 $0x6A40;
	[sflag:s30] =	ssyncadd.s32 $0xFFFFFF38;
	s30 =	simm.s32 $0x3  }
0x5f: {  	[tilespmem:s26], [sflag:$0xA] =	stream.indirect.gather [hbm4b:s6+s9], $0x40, s28, s9, $0xb8;
	[tilespmem:$0x1C840] =	vst v63  }
0x60: {  	_ =	swait.ge [sflag:s30], $0xC8  }
0x61: {  	[sflag:s30] =	ssyncset.done $0x0  }
0x62: {  	s26 =	simm.s32 $0x9C40;
	s28 =	simm.s32 $0x4;
	[sflag:s30] =	ssyncadd.s32 $0xFFFFFF38  }
0x63: {  	[tilespmem:s26], [sflag:$0xB] =	stream.indirect.gather [hbm4b:s6+s9], $0x40, s29, s9, $0xb8;
	[tilespmem:$0x1C840] =	vst v63  }
0x64: {  	_ =	swait.ge [sflag:s28], $0xC8  }
0x65: {  	s24 =	simm.s32 $0x0;
	[sflag:s28] =	ssyncset.done $0x0  }
0x66: {  	s30 =	simm.s32 $0x3458;
	s29 =	simm.s32 $0xCE40;
	[sflag:s28] =	ssyncadd.s32 $0xFFFFFF38  }
0x67: {  	[tilespmem:s29], [sflag:$0xC] =	stream.indirect.gather [hbm4b:s6+s9], $0x40, s30, s9, $0xb8;
	[tilespmem:$0x1C840] =	vst v63  }
.LBB2_2:
0x68: {  	p0 =	seq.s32 s24, $0x0  }
0x69: {  	s26 =	simm.s32 @!p0 $0x15  }
0x6a: {  	_ =	swait.ge @!p0 [sflag:s26], $0x3200  }
0x6b: {  	[sflag:s26] =	ssyncset.done @!p0 $0x0  }
0x6c: {  	[sflag:s26] =	ssyncadd.s32 @!p0 $0xFFFFCE00  }
0x6d: {  	_ =	swait.ge [sflag:s8], $0xC8  }
0x6e: {  	[sflag:s8] =	ssyncset.done $0x0  }
0x6f: {  	s30 =	simm.s32 $0x3520;
	[sflag:s8] =	ssyncadd.s32 $0xFFFFFF38  }
0x70: {  	[tilespmem:s7], [sflag:$0xD] =	stream.indirect.gather [hbm4b:s6+s9], $0x40, s30, s9, $0xb8;
	[tilespmem:$0x1C840] =	vst v63  }
0x71: {  	_ =	swait.ge [sflag:s14], $0x3200  }
0x72: {  	[sflag:s14] =	ssyncset.done $0x0  }
0x73: {  	s26 =	simm.s32 $0x0;
	[sflag:s14] =	ssyncadd.s32 $0xFFFFCE00  }
0x74: {  	v1 =	vld [tilespmem:s26+$0x30]  }
0x75: {  	v2 =	vld [tilespmem:s26+$0x0]  }
0x76: {  	v3 =	vld [tilespmem:s26+$0x10]  }
0x77: {  	v0 =	vld [tilespmem:s26+$0x20];
	_ =	sdelay $0x1  }
0x78: {  	[tilespmem:s26+$0x3870] =	vst.add.f32.msk $0xffff, v1  }
0x79: {  	[tilespmem:s26+$0x3840] =	vst.add.f32.msk $0xffff, v2  }
0x7a: {  	s28 =	simm.s32 $0x40;
	s29 =	simm.s32 $0x200;
	[tilespmem:s26+$0x3850] =	vst.add.f32.msk $0xffff, v3  }
.LBB2_3:
0x7b: {  	p0 =	sne.s32 s29, $0xC700;
	v1 =	vld [tilespmem:s28+$0x30];
	v2 =	vmov v0  }
0x7c: {  	v3 =	vld [tilespmem:s28+$0x0]  }
0x7d: {  	v4 =	vld [tilespmem:s28+$0x10]  }
.Ltmp2:
0x7e: {  	v0 =	vld [tilespmem:s28+$0x20];
	(pc) =	sbr.rel @p0 .LBB2_3-.Ltmp2, $4  }
0x7f: {  	[tilespmem:s26+$0x3860] =	vst.add.f32.msk $0xffff, v2;
	s26 =	smov.u32 s28  }
0x80: {  	[tilespmem:s26+$0x3870] =	vst.add.f32.msk $0xffff, v1  }
0x81: {  	[tilespmem:s26+$0x3840] =	vst.add.f32.msk $0xffff, v3  }
0x82: {  	s28 =	sshra.s32 s29, $0x2;
	s29 =	sadd.s32 $0x100, s29;
	[tilespmem:s26+$0x3850] =	vst.add.f32.msk $0xffff, v4  }
0x83: {  	v1 =	vld [tilespmem:s28+$0x30]  }
0x84: {  	v2 =	vld [tilespmem:s28+$0x0]  }
0x85: {  	v3 =	vld [tilespmem:s28+$0x10]  }
0x86: {  	v4 =	vld [tilespmem:s28+$0x20]  }
0x87: {  	[tilespmem:s26+$0x3860] =	vst.add.f32.msk $0xffff, v0;
	s26 =	smul.u32 $0x640, s24  }
0x88: {  	[tilespmem:s28+$0x3870] =	vst.add.f32.msk $0xffff, v1  }
0x89: {  	s29 =	sadd.s32 s31, s26;
	[tilespmem:s28+$0x3840] =	vst.add.f32.msk $0xffff, v2  }
0x8a: {  	s29 =	sshll.u32 s29, $0x3;
	[tilespmem:s28+$0x3850] =	vst.add.f32.msk $0xffff, v3  }
0x8b: {  	[tilespmem:s28+$0x3860] =	vst.add.f32.msk $0xffff, v4;
	s28 =	sadd.s32 s2, s29;
	s29 =	simm.s32 $0x3840  }
0x8c: {  	[hbm4b:s28+s3] =	stream.linear.scatter [tilespmem:s29], [sflag:$0x11], $0x3200, $0x38;
	[tilespmem:$0x1C840] =	vst v63  }
0x8d: {  	p0 =	seq.s32 s24, $0xF;
	s28 =	rddreg [dreg:$0xe]  }
0x8e: {  	s28 =	sadd.s32 @!p0 s26, s28  }
0x8f: {  	p1 =	seq.s32 @!p0 s24, $0x0;
	s30 =	simm.s32 @!p0 $0x3200;
	s28 =	sshrl.u32 @!p0 s28, $0x3  }
0x90: {  	p1 =	por p0, !p1;
	s29 =	simm.s32 @!p0 $0x0;
	s28 =	sadd.s32 @!p0 s5, s28  }
0x91: {  	[tilespmem:s30], [sflag:$0x1] =	stream.linear.gather @!p0 [hbm4b:s28+s29], $0xC8, $0x38;
	[tilespmem:$0x1C840] =	vst v63  }
0x92: {  	_ =	swait.ge @p1 [sflag:s21], $0x3200  }
0x93: {  	[sflag:s21] =	ssyncset.done @p1 $0x0  }
0x94: {  	[sflag:s21] =	ssyncadd.s32 @p1 $0xFFFFCE00  }
0x95: {  	_ =	swait.ge [sflag:s15], $0xC8  }
0x96: {  	[sflag:s15] =	ssyncset.done $0x0  }
0x97: {  	s28 =	simm.s32 $0x35E8;
	[sflag:s15] =	ssyncadd.s32 $0xFFFFFF38  }
0x98: {  	[tilespmem:s16], [sflag:$0xE] =	stream.indirect.gather [hbm4b:s6+s9], $0x40, s28, s9, $0xb8;
	[tilespmem:$0x1C840] =	vst v63  }
0x99: {  	_ =	swait.ge [sflag:s10], $0x3200  }
0x9a: {  	[sflag:s10] =	ssyncset.done $0x0  }
0x9b: {  	s28 =	simm.s32 $0x0;
	[sflag:s10] =	ssyncadd.s32 $0xFFFFCE00  }
0x9c: {  	v1 =	vld [tilespmem:s28+$0x30]  }
0x9d: {  	v2 =	vld [tilespmem:s28+$0x0]  }
0x9e: {  	v3 =	vld [tilespmem:s28+$0x10]  }
0x9f: {  	v0 =	vld [tilespmem:s28+$0x20];
	_ =	sdelay $0x1  }
0xa0: {  	[tilespmem:s28+$0x6A70] =	vst.add.f32.msk $0xffff, v1  }
0xa1: {  	[tilespmem:s28+$0x6A40] =	vst.add.f32.msk $0xffff, v2  }
0xa2: {  	s29 =	simm.s32 $0x40;
	s30 =	simm.s32 $0x200;
	[tilespmem:s28+$0x6A50] =	vst.add.f32.msk $0xffff, v3  }
.LBB2_5:
0xa3: {  	p2 =	sne.s32 s30, $0xC700;
	v1 =	vld [tilespmem:s29+$0x30];
	v2 =	vmov v0  }
0xa4: {  	v3 =	vld [tilespmem:s29+$0x0]  }
0xa5: {  	v4 =	vld [tilespmem:s29+$0x10]  }
.Ltmp3:
0xa6: {  	v0 =	vld [tilespmem:s29+$0x20];
	(pc) =	sbr.rel @p2 .LBB2_5-.Ltmp3, $4  }
0xa7: {  	[tilespmem:s28+$0x6A60] =	vst.add.f32.msk $0xffff, v2;
	s28 =	smov.u32 s29  }
0xa8: {  	[tilespmem:s28+$0x6A70] =	vst.add.f32.msk $0xffff, v1  }
0xa9: {  	[tilespmem:s28+$0x6A40] =	vst.add.f32.msk $0xffff, v3  }
0xaa: {  	s29 =	sshra.s32 s30, $0x2;
	s30 =	sadd.s32 $0x100, s30;
	[tilespmem:s28+$0x6A50] =	vst.add.f32.msk $0xffff, v4  }
0xab: {  	v1 =	vld [tilespmem:s29+$0x30]  }
0xac: {  	v2 =	vld [tilespmem:s29+$0x0]  }
0xad: {  	v3 =	vld [tilespmem:s29+$0x10]  }
0xae: {  	v4 =	vld [tilespmem:s29+$0x20]  }
0xaf: {  	[tilespmem:s28+$0x6A60] =	vst.add.f32.msk $0xffff, v0;
	s28 =	rddreg [dreg:$0xf]  }
0xb0: {  	s28 =	sadd.s32 s26, s28;
	[tilespmem:s29+$0x6A70] =	vst.add.f32.msk $0xffff, v1  }
0xb1: {  	s28 =	sshll.u32 s28, $0x3;
	[tilespmem:s29+$0x6A40] =	vst.add.f32.msk $0xffff, v2  }
0xb2: {  	s28 =	sand.u32 $0x1FFFFE40, s28;
	[tilespmem:s29+$0x6A50] =	vst.add.f32.msk $0xffff, v3  }
0xb3: {  	s28 =	sadd.s32 s2, s28;
	[tilespmem:s29+$0x6A60] =	vst.add.f32.msk $0xffff, v4;
	s29 =	simm.s32 $0x6A40  }
0xb4: {  	[hbm4b:s28+s3] =	stream.linear.scatter [tilespmem:s29], [sflag:$0x12], $0x3200, $0x38;
	[tilespmem:$0x1C840] =	vst v63  }
0xb5: {  	s28 =	rddreg [dreg:$0x10]  }
0xb6: {  	s28 =	sadd.s32 @!p0 s26, s28  }
0xb7: {  	s28 =	sshrl.u32 @!p0 s28, $0x3  }
0xb8: {  	s30 =	simm.s32 @!p0 $0x32C8;
	s29 =	simm.s32 @!p0 $0x0;
	s28 =	sadd.s32 @!p0 s5, s28  }
0xb9: {  	[tilespmem:s30], [sflag:$0x2] =	stream.linear.gather @!p0 [hbm4b:s28+s29], $0xC8, $0x38;
	[tilespmem:$0x1C840] =	vst v63  }
0xba: {  	_ =	swait.ge @p1 [sflag:s22], $0x3200  }
0xbb: {  	[sflag:s22] =	ssyncset.done @p1 $0x0  }
0xbc: {  	[sflag:s22] =	ssyncadd.s32 @p1 $0xFFFFCE00  }
0xbd: {  	_ =	swait.ge [sflag:s11], $0xC8  }
0xbe: {  	[sflag:s11] =	ssyncset.done $0x0  }
0xbf: {  	s28 =	simm.s32 $0x36B0;
	[sflag:s11] =	ssyncadd.s32 $0xFFFFFF38  }
0xc0: {  	[tilespmem:s0], [sflag:$0xF] =	stream.indirect.gather [hbm4b:s6+s9], $0x40, s28, s9, $0xb8;
	[tilespmem:$0x1C840] =	vst v63  }
0xc1: {  	_ =	swait.ge [sflag:s25], $0x3200  }
0xc2: {  	[sflag:s25] =	ssyncset.done $0x0  }
0xc3: {  	s28 =	simm.s32 $0x0;
	[sflag:s25] =	ssyncadd.s32 $0xFFFFCE00  }
0xc4: {  	v1 =	vld [tilespmem:s28+$0x30]  }
0xc5: {  	v2 =	vld [tilespmem:s28+$0x0]  }
0xc6: {  	v3 =	vld [tilespmem:s28+$0x10]  }
0xc7: {  	v0 =	vld [tilespmem:s28+$0x20];
	_ =	sdelay $0x1  }
0xc8: {  	[tilespmem:s28+$0x9C70] =	vst.add.f32.msk $0xffff, v1  }
0xc9: {  	[tilespmem:s28+$0x9C40] =	vst.add.f32.msk $0xffff, v2  }
0xca: {  	s29 =	simm.s32 $0x40;
	s30 =	simm.s32 $0x200;
	[tilespmem:s28+$0x9C50] =	vst.add.f32.msk $0xffff, v3  }
.LBB2_7:
0xcb: {  	p2 =	sne.s32 s30, $0xC700;
	v1 =	vld [tilespmem:s29+$0x30];
	v2 =	vmov v0  }
0xcc: {  	v3 =	vld [tilespmem:s29+$0x0]  }
0xcd: {  	v4 =	vld [tilespmem:s29+$0x10]  }
.Ltmp4:
0xce: {  	v0 =	vld [tilespmem:s29+$0x20];
	(pc) =	sbr.rel @p2 .LBB2_7-.Ltmp4, $4  }
0xcf: {  	[tilespmem:s28+$0x9C60] =	vst.add.f32.msk $0xffff, v2;
	s28 =	smov.u32 s29  }
0xd0: {  	[tilespmem:s28+$0x9C70] =	vst.add.f32.msk $0xffff, v1  }
0xd1: {  	[tilespmem:s28+$0x9C40] =	vst.add.f32.msk $0xffff, v3  }
0xd2: {  	s29 =	sshra.s32 s30, $0x2;
	s30 =	sadd.s32 $0x100, s30;
	[tilespmem:s28+$0x9C50] =	vst.add.f32.msk $0xffff, v4  }
0xd3: {  	v1 =	vld [tilespmem:s29+$0x30]  }
0xd4: {  	v2 =	vld [tilespmem:s29+$0x0]  }
0xd5: {  	v3 =	vld [tilespmem:s29+$0x10]  }
0xd6: {  	v4 =	vld [tilespmem:s29+$0x20]  }
0xd7: {  	[tilespmem:s28+$0x9C60] =	vst.add.f32.msk $0xffff, v0;
	s28 =	rddreg [dreg:$0x11]  }
0xd8: {  	s28 =	sadd.s32 s26, s28;
	[tilespmem:s29+$0x9C70] =	vst.add.f32.msk $0xffff, v1  }
0xd9: {  	s28 =	sshll.u32 s28, $0x3;
	[tilespmem:s29+$0x9C40] =	vst.add.f32.msk $0xffff, v2  }
0xda: {  	s28 =	sand.u32 $0x1FFFFE80, s28;
	[tilespmem:s29+$0x9C50] =	vst.add.f32.msk $0xffff, v3  }
0xdb: {  	s28 =	sadd.s32 s2, s28;
	[tilespmem:s29+$0x9C60] =	vst.add.f32.msk $0xffff, v4;
	s29 =	simm.s32 $0x9C40  }
0xdc: {  	[hbm4b:s28+s3] =	stream.linear.scatter [tilespmem:s29], [sflag:$0x13], $0x3200, $0x38;
	[tilespmem:$0x1C840] =	vst v63  }
0xdd: {  	s28 =	rddreg [dreg:$0x12]  }
0xde: {  	s28 =	sadd.s32 @!p0 s26, s28  }
0xdf: {  	s28 =	sshrl.u32 @!p0 s28, $0x3  }
0xe0: {  	s30 =	simm.s32 @!p0 $0x3390;
	s29 =	simm.s32 @!p0 $0x0;
	s28 =	sadd.s32 @!p0 s5, s28  }
0xe1: {  	[tilespmem:s30], [sflag:$0x3] =	stream.linear.gather @!p0 [hbm4b:s28+s29], $0xC8, $0x38;
	[tilespmem:$0x1C840] =	vst v63  }
0xe2: {  	_ =	swait.ge @p1 [sflag:s23], $0x3200  }
0xe3: {  	[sflag:s23] =	ssyncset.done @p1 $0x0  }
0xe4: {  	[sflag:s23] =	ssyncadd.s32 @p1 $0xFFFFCE00  }
0xe5: {  	_ =	swait.ge [sflag:s4], $0xC8  }
0xe6: {  	[sflag:s4] =	ssyncset.done $0x0  }
0xe7: {  	[sflag:s4] =	ssyncadd.s32 $0xFFFFFF38  }
0xe8: {  	[tilespmem:s1], [sflag:$0x10] =	stream.indirect.gather [hbm4b:s6+s9], $0x40, s17, s9, $0xb8;
	[tilespmem:$0x1C840] =	vst v63  }
0xe9: {  	_ =	swait.ge [sflag:s12], $0x3200  }
0xea: {  	[sflag:s12] =	ssyncset.done $0x0  }
0xeb: {  	s28 =	simm.s32 $0x0;
	[sflag:s12] =	ssyncadd.s32 $0xFFFFCE00  }
0xec: {  	v1 =	vld [tilespmem:s28+$0x30]  }
0xed: {  	v2 =	vld [tilespmem:s28+$0x0]  }
0xee: {  	v3 =	vld [tilespmem:s28+$0x10]  }
0xef: {  	v0 =	vld [tilespmem:s28+$0x20];
	_ =	sdelay $0x1  }
0xf0: {  	[tilespmem:s28+$0xCE70] =	vst.add.f32.msk $0xffff, v1  }
0xf1: {  	[tilespmem:s28+$0xCE40] =	vst.add.f32.msk $0xffff, v2  }
0xf2: {  	s29 =	simm.s32 $0x40;
	s30 =	simm.s32 $0x200;
	[tilespmem:s28+$0xCE50] =	vst.add.f32.msk $0xffff, v3  }
.LBB2_9:
0xf3: {  	p1 =	sne.s32 s30, $0xC700;
	v1 =	vld [tilespmem:s29+$0x30];
	v2 =	vmov v0  }
0xf4: {  	v3 =	vld [tilespmem:s29+$0x0]  }
0xf5: {  	v4 =	vld [tilespmem:s29+$0x10]  }
.Ltmp5:
0xf6: {  	v0 =	vld [tilespmem:s29+$0x20];
	(pc) =	sbr.rel @p1 .LBB2_9-.Ltmp5, $4  }
0xf7: {  	[tilespmem:s28+$0xCE60] =	vst.add.f32.msk $0xffff, v2;
	s28 =	smov.u32 s29  }
0xf8: {  	[tilespmem:s28+$0xCE70] =	vst.add.f32.msk $0xffff, v1  }
0xf9: {  	[tilespmem:s28+$0xCE40] =	vst.add.f32.msk $0xffff, v3  }
0xfa: {  	s29 =	sshra.s32 s30, $0x2;
	s30 =	sadd.s32 $0x100, s30;
	[tilespmem:s28+$0xCE50] =	vst.add.f32.msk $0xffff, v4  }
0xfb: {  	v1 =	vld [tilespmem:s29+$0x30]  }
0xfc: {  	v2 =	vld [tilespmem:s29+$0x0]  }
0xfd: {  	v3 =	vld [tilespmem:s29+$0x10]  }
0xfe: {  	v4 =	vld [tilespmem:s29+$0x20]  }
0xff: {  	[tilespmem:s28+$0xCE60] =	vst.add.f32.msk $0xffff, v0;
	s28 =	rddreg [dreg:$0x13]  }
0x100: {  	s28 =	sadd.s32 s26, s28;
	[tilespmem:s29+$0xCE70] =	vst.add.f32.msk $0xffff, v1  }
0x101: {  	s28 =	sshll.u32 s28, $0x3;
	[tilespmem:s29+$0xCE40] =	vst.add.f32.msk $0xffff, v2  }
0x102: {  	s28 =	sand.u32 $0x1FFFFEC0, s28;
	[tilespmem:s29+$0xCE50] =	vst.add.f32.msk $0xffff, v3  }
0x103: {  	s28 =	sadd.s32 s2, s28;
	[tilespmem:s29+$0xCE60] =	vst.add.f32.msk $0xffff, v4;
	s29 =	simm.s32 $0xCE40  }
0x104: {  	[hbm4b:s28+s3] =	stream.linear.scatter [tilespmem:s29], [sflag:$0x14], $0x3200, $0x38;
	[tilespmem:$0x1C840] =	vst v63  }
0x105: {  	s28 =	rddreg [dreg:$0x14]  }
0x106: {  	s28 =	sadd.s32 @!p0 s26, s28  }
0x107: {  	s28 =	sshrl.u32 @!p0 s28, $0x3  }
0x108: {  	s30 =	simm.s32 @!p0 $0x3458;
	s29 =	simm.s32 @!p0 $0x0;
	s28 =	sadd.s32 @!p0 s5, s28  }
0x109: {  	[tilespmem:s30], [sflag:$0x4] =	stream.linear.gather @!p0 [hbm4b:s28+s29], $0xC8, $0x38;
	[tilespmem:$0x1C840] =	vst v63  }
0x10a: {  	s28 =	simm.s32 @!p0 $0x11  }
0x10b: {  	_ =	swait.ge @!p0 [sflag:s28], $0x3200  }
0x10c: {  	[sflag:s28] =	ssyncset.done @!p0 $0x0  }
0x10d: {  	[sflag:s28] =	ssyncadd.s32 @!p0 $0xFFFFCE00;
	s28 =	simm.s32 @!p0 $0x1  }
0x10e: {  	_ =	swait.ge @!p0 [sflag:s28], $0xC8  }
0x10f: {  	s29 =	simm.s32 @!p0 $0x3200;
	[sflag:s28] =	ssyncset.done @!p0 $0x0  }
0x110: {  	s30 =	simm.s32 @!p0 $0x3840;
	[sflag:s28] =	ssyncadd.s32 @!p0 $0xFFFFFF38;
	s28 =	simm.s32 @!p0 $0xC8  }
0x111: {  	[tilespmem:s30], [sflag:$0x9] =	stream.indirect.gather @!p0 [hbm4b:s6+s28], $0x40, s29, s28, $0xb8;
	[tilespmem:$0x1C840] =	vst v63  }
0x112: {  	_ =	swait.ge [sflag:s13], $0x3200  }
0x113: {  	[sflag:s13] =	ssyncset.done $0x0  }
0x114: {  	s28 =	simm.s32 $0x0;
	[sflag:s13] =	ssyncadd.s32 $0xFFFFCE00  }
0x115: {  	v1 =	vld [tilespmem:s28+$0x30]  }
0x116: {  	v2 =	vld [tilespmem:s28+$0x0]  }
0x117: {  	v3 =	vld [tilespmem:s28+$0x10]  }
0x118: {  	v0 =	vld [tilespmem:s28+$0x20];
	_ =	sdelay $0x1  }
0x119: {  	[tilespmem:s28+$0x10070] =	vst.add.f32.msk $0xffff, v1  }
0x11a: {  	[tilespmem:s28+$0x10040] =	vst.add.f32.msk $0xffff, v2  }
0x11b: {  	s29 =	simm.s32 $0x40;
	s30 =	simm.s32 $0x200;
	[tilespmem:s28+$0x10050] =	vst.add.f32.msk $0xffff, v3  }
.LBB2_11:
0x11c: {  	p1 =	sne.s32 s30, $0xC700;
	v1 =	vld [tilespmem:s29+$0x30];
	v2 =	vmov v0  }
0x11d: {  	v3 =	vld [tilespmem:s29+$0x0]  }
0x11e: {  	v4 =	vld [tilespmem:s29+$0x10]  }
.Ltmp6:
0x11f: {  	v0 =	vld [tilespmem:s29+$0x20];
	(pc) =	sbr.rel @p1 .LBB2_11-.Ltmp6, $4  }
0x120: {  	[tilespmem:s28+$0x10060] =	vst.add.f32.msk $0xffff, v2;
	s28 =	smov.u32 s29  }
0x121: {  	[tilespmem:s28+$0x10070] =	vst.add.f32.msk $0xffff, v1  }
0x122: {  	[tilespmem:s28+$0x10040] =	vst.add.f32.msk $0xffff, v3  }
0x123: {  	s29 =	sshra.s32 s30, $0x2;
	s30 =	sadd.s32 $0x100, s30;
	[tilespmem:s28+$0x10050] =	vst.add.f32.msk $0xffff, v4  }
0x124: {  	v1 =	vld [tilespmem:s29+$0x30]  }
0x125: {  	v2 =	vld [tilespmem:s29+$0x0]  }
0x126: {  	v3 =	vld [tilespmem:s29+$0x10]  }
0x127: {  	v4 =	vld [tilespmem:s29+$0x20]  }
0x128: {  	[tilespmem:s28+$0x10060] =	vst.add.f32.msk $0xffff, v0;
	s28 =	rddreg [dreg:$0x16]  }
0x129: {  	s28 =	sadd.s32 s26, s28;
	[tilespmem:s29+$0x10070] =	vst.add.f32.msk $0xffff, v1  }
0x12a: {  	s28 =	sshll.u32 s28, $0x3;
	[tilespmem:s29+$0x10040] =	vst.add.f32.msk $0xffff, v2  }
0x12b: {  	s28 =	sand.u32 $0x1FFFFF00, s28;
	[tilespmem:s29+$0x10050] =	vst.add.f32.msk $0xffff, v3  }
0x12c: {  	s28 =	sadd.s32 s2, s28;
	[tilespmem:s29+$0x10060] =	vst.add.f32.msk $0xffff, v4  }
0x12d: {  	[hbm4b:s28+s3] =	stream.linear.scatter [tilespmem:s7], [sflag:$0x15], $0x3200, $0x38;
	[tilespmem:$0x1C840] =	vst v63  }
0x12e: {  	s28 =	rddreg [dreg:$0x17]  }
0x12f: {  	s28 =	sadd.s32 @!p0 s26, s28  }
0x130: {  	s28 =	sshrl.u32 @!p0 s28, $0x3  }
0x131: {  	s30 =	simm.s32 @!p0 $0x3520;
	s29 =	simm.s32 @!p0 $0x0;
	s28 =	sadd.s32 @!p0 s5, s28  }
0x132: {  	[tilespmem:s30], [sflag:$0x5] =	stream.linear.gather @!p0 [hbm4b:s28+s29], $0xC8, $0x38;
	[tilespmem:$0x1C840] =	vst v63  }
0x133: {  	s28 =	simm.s32 @!p0 $0x12  }
0x134: {  	_ =	swait.ge @!p0 [sflag:s28], $0x3200  }
0x135: {  	[sflag:s28] =	ssyncset.done @!p0 $0x0  }
0x136: {  	[sflag:s28] =	ssyncadd.s32 @!p0 $0xFFFFCE00;
	s28 =	simm.s32 @!p0 $0x2  }
0x137: {  	_ =	swait.ge @!p0 [sflag:s28], $0xC8  }
0x138: {  	s29 =	simm.s32 @!p0 $0x32C8;
	[sflag:s28] =	ssyncset.done @!p0 $0x0  }
0x139: {  	s30 =	simm.s32 @!p0 $0x6A40;
	[sflag:s28] =	ssyncadd.s32 @!p0 $0xFFFFFF38;
	s28 =	simm.s32 @!p0 $0xC8  }
0x13a: {  	[tilespmem:s30], [sflag:$0xA] =	stream.indirect.gather @!p0 [hbm4b:s6+s28], $0x40, s29, s28, $0xb8;
	[tilespmem:$0x1C840] =	vst v63  }
0x13b: {  	_ =	swait.ge [sflag:s18], $0x3200  }
0x13c: {  	[sflag:s18] =	ssyncset.done $0x0  }
0x13d: {  	s28 =	simm.s32 $0x0;
	[sflag:s18] =	ssyncadd.s32 $0xFFFFCE00  }
0x13e: {  	v1 =	vld [tilespmem:s28+$0x30]  }
0x13f: {  	v2 =	vld [tilespmem:s28+$0x0]  }
0x140: {  	v3 =	vld [tilespmem:s28+$0x10]  }
0x141: {  	v0 =	vld [tilespmem:s28+$0x20];
	_ =	sdelay $0x1  }
0x142: {  	[tilespmem:s28+$0x13270] =	vst.add.f32.msk $0xffff, v1  }
0x143: {  	[tilespmem:s28+$0x13240] =	vst.add.f32.msk $0xffff, v2  }
0x144: {  	s29 =	simm.s32 $0x40;
	s30 =	simm.s32 $0x200;
	[tilespmem:s28+$0x13250] =	vst.add.f32.msk $0xffff, v3  }
.LBB2_13:
0x145: {  	p1 =	sne.s32 s30, $0xC700;
	v1 =	vld [tilespmem:s29+$0x30];
	v2 =	vmov v0  }
0x146: {  	v3 =	vld [tilespmem:s29+$0x0]  }
0x147: {  	v4 =	vld [tilespmem:s29+$0x10]  }
.Ltmp7:
0x148: {  	v0 =	vld [tilespmem:s29+$0x20];
	(pc) =	sbr.rel @p1 .LBB2_13-.Ltmp7, $4  }
0x149: {  	[tilespmem:s28+$0x13260] =	vst.add.f32.msk $0xffff, v2;
	s28 =	smov.u32 s29  }
0x14a: {  	[tilespmem:s28+$0x13270] =	vst.add.f32.msk $0xffff, v1  }
0x14b: {  	[tilespmem:s28+$0x13240] =	vst.add.f32.msk $0xffff, v3  }
0x14c: {  	s29 =	sshra.s32 s30, $0x2;
	s30 =	sadd.s32 $0x100, s30;
	[tilespmem:s28+$0x13250] =	vst.add.f32.msk $0xffff, v4  }
0x14d: {  	v1 =	vld [tilespmem:s29+$0x30]  }
0x14e: {  	v2 =	vld [tilespmem:s29+$0x0]  }
0x14f: {  	v3 =	vld [tilespmem:s29+$0x10]  }
0x150: {  	v4 =	vld [tilespmem:s29+$0x20]  }
0x151: {  	[tilespmem:s28+$0x13260] =	vst.add.f32.msk $0xffff, v0;
	s28 =	rddreg [dreg:$0x18]  }
0x152: {  	s28 =	sadd.s32 s26, s28;
	[tilespmem:s29+$0x13270] =	vst.add.f32.msk $0xffff, v1  }
0x153: {  	s28 =	sshll.u32 s28, $0x3;
	[tilespmem:s29+$0x13240] =	vst.add.f32.msk $0xffff, v2  }
0x154: {  	s28 =	sand.u32 $0x1FFFFF40, s28;
	[tilespmem:s29+$0x13250] =	vst.add.f32.msk $0xffff, v3  }
0x155: {  	s28 =	sadd.s32 s2, s28;
	[tilespmem:s29+$0x13260] =	vst.add.f32.msk $0xffff, v4  }
0x156: {  	[hbm4b:s28+s3] =	stream.linear.scatter [tilespmem:s16], [sflag:$0x16], $0x3200, $0x38;
	[tilespmem:$0x1C840] =	vst v63  }
0x157: {  	s28 =	rddreg [dreg:$0x19]  }
0x158: {  	s28 =	sadd.s32 @!p0 s26, s28  }
0x159: {  	s28 =	sshrl.u32 @!p0 s28, $0x3  }
0x15a: {  	s30 =	simm.s32 @!p0 $0x35E8;
	s29 =	simm.s32 @!p0 $0x0;
	s28 =	sadd.s32 @!p0 s5, s28  }
0x15b: {  	[tilespmem:s30], [sflag:$0x6] =	stream.linear.gather @!p0 [hbm4b:s28+s29], $0xC8, $0x38;
	[tilespmem:$0x1C840] =	vst v63  }
0x15c: {  	s28 =	simm.s32 @!p0 $0x13  }
0x15d: {  	_ =	swait.ge @!p0 [sflag:s28], $0x3200  }
0x15e: {  	[sflag:s28] =	ssyncset.done @!p0 $0x0  }
0x15f: {  	[sflag:s28] =	ssyncadd.s32 @!p0 $0xFFFFCE00;
	s28 =	simm.s32 @!p0 $0x3  }
0x160: {  	_ =	swait.ge @!p0 [sflag:s28], $0xC8  }
0x161: {  	s29 =	simm.s32 @!p0 $0x3390;
	[sflag:s28] =	ssyncset.done @!p0 $0x0  }
0x162: {  	s30 =	simm.s32 @!p0 $0x9C40;
	[sflag:s28] =	ssyncadd.s32 @!p0 $0xFFFFFF38;
	s28 =	simm.s32 @!p0 $0xC8  }
0x163: {  	[tilespmem:s30], [sflag:$0xB] =	stream.indirect.gather @!p0 [hbm4b:s6+s28], $0x40, s29, s28, $0xb8;
	[tilespmem:$0x1C840] =	vst v63  }
0x164: {  	_ =	swait.ge [sflag:s19], $0x3200  }
0x165: {  	[sflag:s19] =	ssyncset.done $0x0  }
0x166: {  	s28 =	simm.s32 $0x0;
	[sflag:s19] =	ssyncadd.s32 $0xFFFFCE00  }
0x167: {  	v1 =	vld [tilespmem:s28+$0x30]  }
0x168: {  	v2 =	vld [tilespmem:s28+$0x0]  }
0x169: {  	v3 =	vld [tilespmem:s28+$0x10]  }
0x16a: {  	v0 =	vld [tilespmem:s28+$0x20];
	_ =	sdelay $0x1  }
0x16b: {  	[tilespmem:s28+$0x16470] =	vst.add.f32.msk $0xffff, v1  }
0x16c: {  	[tilespmem:s28+$0x16440] =	vst.add.f32.msk $0xffff, v2  }
0x16d: {  	s29 =	simm.s32 $0x40;
	s30 =	simm.s32 $0x200;
	[tilespmem:s28+$0x16450] =	vst.add.f32.msk $0xffff, v3  }
.LBB2_15:
0x16e: {  	p1 =	sne.s32 s30, $0xC700;
	v1 =	vld [tilespmem:s29+$0x30];
	v2 =	vmov v0  }
0x16f: {  	v3 =	vld [tilespmem:s29+$0x0]  }
0x170: {  	v4 =	vld [tilespmem:s29+$0x10]  }
.Ltmp8:
0x171: {  	v0 =	vld [tilespmem:s29+$0x20];
	(pc) =	sbr.rel @p1 .LBB2_15-.Ltmp8, $4  }
0x172: {  	[tilespmem:s28+$0x16460] =	vst.add.f32.msk $0xffff, v2;
	s28 =	smov.u32 s29  }
0x173: {  	[tilespmem:s28+$0x16470] =	vst.add.f32.msk $0xffff, v1  }
0x174: {  	[tilespmem:s28+$0x16440] =	vst.add.f32.msk $0xffff, v3  }
0x175: {  	s29 =	sshra.s32 s30, $0x2;
	s30 =	sadd.s32 $0x100, s30;
	[tilespmem:s28+$0x16450] =	vst.add.f32.msk $0xffff, v4  }
0x176: {  	v1 =	vld [tilespmem:s29+$0x30]  }
0x177: {  	v2 =	vld [tilespmem:s29+$0x0]  }
0x178: {  	v3 =	vld [tilespmem:s29+$0x10]  }
0x179: {  	v4 =	vld [tilespmem:s29+$0x20]  }
0x17a: {  	[tilespmem:s28+$0x16460] =	vst.add.f32.msk $0xffff, v0;
	s28 =	rddreg [dreg:$0x8]  }
0x17b: {  	s28 =	sadd.s32 s26, s28;
	[tilespmem:s29+$0x16470] =	vst.add.f32.msk $0xffff, v1  }
0x17c: {  	s28 =	sshll.u32 s28, $0x3;
	[tilespmem:s29+$0x16440] =	vst.add.f32.msk $0xffff, v2  }
0x17d: {  	s28 =	sand.u32 $0x1FFFFF80, s28;
	[tilespmem:s29+$0x16450] =	vst.add.f32.msk $0xffff, v3  }
0x17e: {  	s28 =	sadd.s32 s2, s28;
	[tilespmem:s29+$0x16460] =	vst.add.f32.msk $0xffff, v4  }
0x17f: {  	[hbm4b:s28+s3] =	stream.linear.scatter [tilespmem:s0], [sflag:$0x17], $0x3200, $0x38;
	[tilespmem:$0x1C840] =	vst v63  }
0x180: {  	s28 =	rddreg [dreg:$0x1a]  }
0x181: {  	s28 =	sadd.s32 @!p0 s26, s28  }
0x182: {  	s28 =	sshrl.u32 @!p0 s28, $0x3  }
0x183: {  	s30 =	simm.s32 @!p0 $0x36B0;
	s29 =	simm.s32 @!p0 $0x0;
	s28 =	sadd.s32 @!p0 s5, s28  }
0x184: {  	[tilespmem:s30], [sflag:$0x7] =	stream.linear.gather @!p0 [hbm4b:s28+s29], $0xC8, $0x38;
	[tilespmem:$0x1C840] =	vst v63  }
0x185: {  	s28 =	simm.s32 @!p0 $0x14  }
0x186: {  	_ =	swait.ge @!p0 [sflag:s28], $0x3200  }
0x187: {  	[sflag:s28] =	ssyncset.done @!p0 $0x0  }
0x188: {  	[sflag:s28] =	ssyncadd.s32 @!p0 $0xFFFFCE00;
	s28 =	simm.s32 @!p0 $0x4  }
0x189: {  	_ =	swait.ge @!p0 [sflag:s28], $0xC8  }
0x18a: {  	s29 =	simm.s32 @!p0 $0x3458;
	[sflag:s28] =	ssyncset.done @!p0 $0x0  }
0x18b: {  	s30 =	simm.s32 @!p0 $0xCE40;
	[sflag:s28] =	ssyncadd.s32 @!p0 $0xFFFFFF38;
	s28 =	simm.s32 @!p0 $0xC8  }
0x18c: {  	[tilespmem:s30], [sflag:$0xC] =	stream.indirect.gather @!p0 [hbm4b:s6+s28], $0x40, s29, s28, $0xb8;
	[tilespmem:$0x1C840] =	vst v63  }
0x18d: {  	_ =	swait.ge [sflag:s20], $0x3200  }
0x18e: {  	[sflag:s20] =	ssyncset.done $0x0  }
0x18f: {  	s28 =	simm.s32 $0x0;
	[sflag:s20] =	ssyncadd.s32 $0xFFFFCE00  }
0x190: {  	v1 =	vld [tilespmem:s28+$0x30]  }
0x191: {  	v2 =	vld [tilespmem:s28+$0x0]  }
0x192: {  	v3 =	vld [tilespmem:s28+$0x10]  }
0x193: {  	v0 =	vld [tilespmem:s28+$0x20];
	_ =	sdelay $0x1  }
0x194: {  	[tilespmem:s28+$0x19670] =	vst.add.f32.msk $0xffff, v1  }
0x195: {  	[tilespmem:s28+$0x19640] =	vst.add.f32.msk $0xffff, v2  }
0x196: {  	s29 =	simm.s32 $0x40;
	s30 =	simm.s32 $0x200;
	[tilespmem:s28+$0x19650] =	vst.add.f32.msk $0xffff, v3  }
.LBB2_17:
0x197: {  	p1 =	sne.s32 s30, $0xC700;
	v1 =	vld [tilespmem:s29+$0x30];
	v2 =	vmov v0  }
0x198: {  	v3 =	vld [tilespmem:s29+$0x0]  }
0x199: {  	v4 =	vld [tilespmem:s29+$0x10]  }
.Ltmp9:
0x19a: {  	v0 =	vld [tilespmem:s29+$0x20];
	(pc) =	sbr.rel @p1 .LBB2_17-.Ltmp9, $4  }
0x19b: {  	[tilespmem:s28+$0x19660] =	vst.add.f32.msk $0xffff, v2;
	s28 =	smov.u32 s29  }
0x19c: {  	[tilespmem:s28+$0x19670] =	vst.add.f32.msk $0xffff, v1  }
0x19d: {  	[tilespmem:s28+$0x19640] =	vst.add.f32.msk $0xffff, v3  }
0x19e: {  	s29 =	sshra.s32 s30, $0x2;
	s30 =	sadd.s32 $0x100, s30;
	[tilespmem:s28+$0x19650] =	vst.add.f32.msk $0xffff, v4  }
0x19f: {  	v1 =	vld [tilespmem:s29+$0x30]  }
0x1a0: {  	v2 =	vld [tilespmem:s29+$0x0]  }
0x1a1: {  	v3 =	vld [tilespmem:s29+$0x10]  }
0x1a2: {  	v4 =	vld [tilespmem:s29+$0x20]  }
0x1a3: {  	[tilespmem:s28+$0x19660] =	vst.add.f32.msk $0xffff, v0;
	s30 =	rddreg [dreg:$0x9]  }
.Ltmp10:
0x1a4: {  	s28 =	sadd.s32 s26, s30;
	[tilespmem:s29+$0x19670] =	vst.add.f32.msk $0xffff, v1;
	(pc) =	sbr.rel @p0 .LBB2_20-.Ltmp10, $4  }
0x1a5: {  	s28 =	sshll.u32 s28, $0x3;
	[tilespmem:s29+$0x19640] =	vst.add.f32.msk $0xffff, v2  }
0x1a6: {  	s28 =	sand.u32 $0x1FFFFFC0, s28;
	[tilespmem:s29+$0x19650] =	vst.add.f32.msk $0xffff, v3  }
0x1a7: {  	s28 =	sadd.s32 s2, s28;
	[tilespmem:s29+$0x19660] =	vst.add.f32.msk $0xffff, v4  }
0x1a8: {  	[hbm4b:s28+s3] =	stream.linear.scatter [tilespmem:s1], [sflag:$0x18], $0x3200, $0x38;
	[tilespmem:$0x1C840] =	vst v63  }
.Ltmp11:
0x1a9: {  	s28 =	rddreg [dreg:$0x1b];
	(pc) =	sbr.rel .LBB2_2-.Ltmp11, $4  }
0x1aa: {  	s26 =	sadd.s32 s26, s28  }
0x1ab: {  	s26 =	sshrl.u32 s26, $0x3  }
0x1ac: {  	s24 =	sadd.s32 $0x1, s24;
	s26 =	sadd.s32 s5, s26  }
0x1ad: {  	[tilespmem:s17], [sflag:$0x8] =	stream.linear.gather [hbm4b:s26+s3], $0xC8, $0x38;
	[tilespmem:$0x1C840] =	vst v63  }
.LBB2_21:
0x1ae: {  	_ =	sfence.sel $0x180000  }
0x1af: {  	[bflag:$0x0] =	sbarrier.arrive $0xFFFF  }
0x1b0: {  	_ =	strace $0x90000047  }
0x1b1: {  	s0 =	stileid.u32;
	[bflag:$0x2] =	sbarrier.arrive $0xFFFF  }
0x1b2: {  	p0 =	sne.s32 s0, $0x0;
	s0 =	rddreg [dreg:$0x2]  }
0x1b3: {  	s0 =	sadd.s32 @!p0 $0x100000, s0  }
0x1b4: {  	[sflag:s0] =	ssyncadd.tile.s32 @!p0 $0x1;
	_ =	shalt  }
.Lfunc_end2:
_tile_overlayer_lowered:
.L_overlay_start_2:
0x1b5: {  	(tag) =	ssettag $0x2  }
0x1b6: {  	s0 =	rddreg [dreg:$0x0];
	s2 =	stileid.u32  }
0x1b7: {  	s1 =	rddreg [dreg:$0x1];
	p0 =	sne.s32 s2, $0x0  }
0x1b8: {  	s3 =	rddreg [dreg:$0x2];
	[bflag:$0x3] =	sbarrier.arrive $0xFFFF;
	s2 =	simm.s32 @!p0 $0x1C19  }
0x1b9: {  	[timem:s3], [sflag:s2] =	dma.local @!p0 [hbm:s0], s1  }
0x1ba: {  	s0 =	simm.s32 @!p0 $0x19  }
0x1bb: {  	_ =	swait.ge @!p0 [sflag:s0], s1  }
0x1bc: {  	s1 =	ssub.s32 @!p0 $0x0, s1;
	[sflag:s0] =	ssyncset.done @!p0 $0x0  }
0x1bd: {  	[sflag:s0] =	ssyncadd.s32 @!p0 s1  }
0x1be: {  	[bflag:$0x3] =	sbarrier.arrive $0xFFFF  }
0x1bf: {  	_ =	shalt  }

// kernel: sparse-core-data-format-call.cloned.1.call-start
scs
called_computation_lowered:
.L_overlay_start_0:
0x0: {  	s2 =	sld [smem:$0x3FD9]  }
0x1: {  	s3 =	sld [smem:$0x3FFE];
	_ =	sdelay $0x1  }
0x2: {  	s1 =	srdreg.scid  }
0x3: {  	s0 =	sand.u32 $0x1, s1  }
0x4: {  	s18 =	sshll.u32 s0, $0xA;
	s2 =	sadd.s32 s3, s2  }
0x5: {  	s2 =	sadd.s32 s2, s18  }
0x6: {  	[smem:$0x3FC5] =	sst s2  }
0x7: {  	_ = 	snop  }
0x8: {  	s2 =	sld [smem:$0x3FD0];
	(tm) =	ssettm $0x1  }
0x9: {  	s19 =	sld [smem:$0x3FFB];
	_ =	sdelay $0x3  }
0xa: {  	_ =	strace s19  }
0xb: {  	s3 =	sld [smem:$0x3FFC];
	_ =	sdelay $0x3  }
0xc: {  	_ =	strace s3  }
0xd: {  	s3 =	sld [smem:$0x3FFD];
	_ =	sdelay $0x3  }
0xe: {  	_ =	strace s3  }
0xf: {  	_ =	strace $0x8FFFFFFF  }
0x10: {  	s20 =	sld [smem:$0x3FDB];
	_ =	sdelay $0x1  }
0x11: {  	s4 =	simm.s32 $_scs_section_size  }
0x12: {  	s5 =	simm.s32 $_size__tile_overlayer_lowered;
	s6 =	simm.s32 $_tile_overlayer_lowered  }
0x13: {  	s23 =	simm.s32 $0x1BFF;
	s22 =	sshll.u32 s6, $0x1;
	s3 =	sadd.s32 s4, s20  }
0x14: {  	s7 =	simm.s32 $0x0;
	s21 =	sshll.u32 s5, $0x1;
	s5 =	sadd.s32 s22, s3  }
0x15: {  	[timem:s7], [sflag:s23] =	dma.local [hbm:s5], s21  }
0x16: {  	_ =	swait.ge [sflag:s23], s21  }
0x17: {  	s4 =	ssub.s32 $0x0, s21;
	[sflag:s23] =	ssyncset.done $0x0  }
0x18: {  	[sflag:s23] =	ssyncadd.s32 s4;
	_ =	sdelay $0x1  }
0x19: {  	s24 =	simm.s32 $0x1B8B  }
0x1a: {  	_ =	swait.ge [sflag:s24], $0x1  }
0x1b: {  	[sflag:s24] =	ssyncset.done $0x0  }
0x1c: {  	s26 =	simm.s32 $0x1B8E;
	s25 =	sld [smem:$0x3FFE];
	[sflag:s24] =	ssyncadd.s32 $0xFFFFFFFF  }
0x1d: {  	s27 =	simm.s32 $execute0_lowered;
	[smem:$0x3FD2] =	sst s26  }
0x1e: {  	s5 =	sshll.u32 s27, $0x1;
	_ =	strace $0x80000049;
	[dreg:$0x1] =	wrdreg $0xFFFFFFFF  }
0x1f: {  	s28 =	simm.s32 $_size_execute0_lowered;
	s3 =	sadd.s32 s3, s5;
	[dreg:$0x0] =	wrdreg $0x0  }
0x20: {  	s5 =	sshll.u32 s28, $0x1;
	[dreg:$0x2] =	wrdreg s3  }
0x21: {  	[dreg:$0x3] =	wrdreg s5  }
0x22: {  	[dreg:$0x4] =	wrdreg $0xC0  }
0x23: {  	_ =	task [dreg:s7], $0x5FFFF  }
0x24: {  	[dreg:$0x1] =	wrdreg $0xFFFFFFFF  }
0x25: {  	[dreg:$0x0] =	wrdreg $0x60  }
0x26: {  	[dreg:$0x2] =	wrdreg s25  }
0x27: {  	[dreg:$0x3] =	wrdreg s2  }
0x28: {  	[dreg:$0x4] =	wrdreg $0x9  }
0x29: {  	_ =	task.clear_ibuf [dreg:s7], $0x5FFFF;
	_ =	strace $0x90000049  }
0x2a: {  	s29 =	simm.s32 $0x9;
	_ =	strace $0x8000004B  }
0x2b: {  	_ =	swait.ge [sflag:s29], $0x1  }
0x2c: {  	[sflag:s29] =	ssyncadd.s32 $0xFFFFFFFF  }
0x2d: {  	_ =	strace $0x9000004B  }
0x2e: {  	_ =	sfence  }
0x2f: {  	s30 =	sld [smem:$0x0];
	_ =	sdelay $0x2  }
0x30: {  	s31 =	sshll.u32 s1, $0xD;
	s1 =	sshrl.u32 s1, $0x2  }
0x31: {  	s3 =	sand.u32 $0x4000, s31;
	s1 =	sadd.s32 s1, s30  }
0x32: {  	s0 =	sor.u32 s3, s0;
	s1 =	sshll.u32 s1, $0x11  }
0x33: {  	s0 =	sor.u32 s1, s0  }
0x34: {  	s0 =	sadd.s32 $0x8F2B, s0  }
0x35: {  	[sflag:s0] =	ssyncadd.remote.s32 $0x1  }
0x36: {  	_ =	sfence.sel $0xFFFF  }
0x37: {  	[dreg:$0x0] =	wrdreg $0xFFFFFFFF;
	(pc) =	sbr.abs _section_cstart, $3  }
0x38: {  	[dreg:$0x1] =	wrdreg $0xFFFFFFFF  }
0x39: {  	_ =	task.clear_ibuf [dreg:s7], $0x2FFFF;
	_ =	strace $0x9FFFFFFF  }
0x3a: {  	(tm) =	ssettm $0x7FFFFFFF  }
0x3b: {  	_ =	shalt  }
tec
execute0_lowered:
.L_overlay_start_1:
0x0: {  	(tag) =	ssettag $0x1  }
0x1: {  	s0 =	srdreg.scid  }
0x2: {  	s1 =	sshll.u32 s0, $0x4  }
0x3: {  	s0 =	stileid.u32;
	s1 =	sand.u32 $0x10, s1  }
0x4: {  	s1 =	sor.u32 s0, s1  }
0x5: {  	s6 =	rddreg [dreg:$0x0];
	s4 =	simm.s32 $0x1;
	s2 =	sshll.u32 s1, $0x7  }
0x6: {  	s7 =	simm.s32 $0x2;
	s12 =	simm.s32 $0x0;
	s1 =	ssub.s32 $0x1000, s2  }
0x7: {  	s8 =	simm.s32 $0x8000;
	s13 =	simm.s32 $0x0;
	s3 =	sand.u32 $0xF80, s1  }
0x8: {  	s9 =	simm.s32 $0x0;
	s5 =	sshrl.u32 s1, $0xC;
	p0 =	sne.s32 s3, $0x0  }
.Ltmp0:
0x9: {  	s1 =	rddreg [dreg:$0x2];
	s4 =	simm.s32 @!p0 $0x0;
	(pc) =	sbr.rel .LBB1_1-.Ltmp0, $4  }
0xa: {  	s11 =	simm.s32 $0x0;
	s3 =	rddreg [dreg:$0x1];
	s5 =	sadd.s32 s4, s5  }
0xb: {  	_ =	strace $0x8000004A;
	s4 =	simm.s32 $0x1;
	s5 =	smul.u32 $0xC8, s5  }
0xc: {  	s6 =	sadd.s32 $0x800, s6;
	s10 =	smov.u32 s2;
	[sflag:s4] =	ssyncpa.u1 $0x0  }
0xd: {  	p0 =	por $0x0, $0x0;
	[sflag:s7] =	ssyncpa.u1 $0x0;
	s7 =	sor.u32 $0x1, s5  }
.LBB1_4:
0xe: {  	s16 =	sshll.u32 s13, $0x3;
	s17 =	sand.u32 $0x78, s13  }
0xf: {  	s30 =	sand.u32 $0x7E00, s13;
	s12 =	sshll.u32 s12, $0xF;
	s16 =	sand.u32 $0xC00, s16  }
0x10: {  	[tilespmem:s15+$0x810 ss:$0x81] =	vst.msk $0xffff, v2;
	s31 =	sand.u32 $0x7, s13;
	s16 =	sor.u32 s17, s16;
	s17 =	sadd.s32 s3, s30  }
0x11: {  	[tilespmem:s15+$0x1020 ss:$0x81] =	vst.msk $0xffff, v0;
	s13 =	sshll.u32 s31, $0x12;
	s12 =	sadd.s32 s12, s17;
	s16 =	sshrl.u32 s16, $0x3  }
0x12: {  	[tilespmem:s15+$0x0 ss:$0x81] =	vst.msk $0xffff, v1;
	s13 =	sor.u32 $0x400, s13;
	s12 =	sadd.s32 s16, s12  }
0x13: {  	[hbm4b:s12+s13] =	stream.strided.scatter [tilespmem:s14], [sflag:$0x2], $0x2000, s8, s13, $0x20;
	[tilespmem:$0x8080] =	vst v63  }
.LBB1_5:
0x14: {  	s14 =	sadd.s32 $0x1, s9  }
0x15: {  	s12 =	sadd.s32 $0x1000, s10;
	s16 =	smov.u32 s10;
	p2 =	sgt.s32 s14, $0xC7  }
0x16: {  	s16 =	smov.u32 @p2 s12  }
0x17: {  	s14 =	simm.s32 @p2 $0x0;
	p2 =	sgt.s32 s16, $0xFFF  }
0x18: {  	s16 =	smov.u32 @p2 s2;
	p2 =	sne.s32 s11, s7  }
.Ltmp1:
0x19: {  	p1 =	slt.u32 s11, $0x2;
	(pc) =	sbr.rel @!p2 .LBB1_6-.Ltmp1, $4  }
0x1a: {  	s15 =	simm.s32 @!p1 $0x2  }
0x1b: {  	s13 =	smov.u32 s10;
	p0 =	por !p0, !p0;
	_ =	swait.ge @!p1 [sflag:s15], $0x2000  }
0x1c: {  	s12 =	smov.u32 s9;
	[sflag:s15] =	ssyncset.done @!p1 $0x0;
	s9 =	smov.u32 s14  }
0x1d: {  	s11 =	sadd.s32 $0x1, s11;
	[sflag:s15] =	ssyncadd.s32 @!p1 $0xFFFFE000;
	s10 =	smov.u32 s16  }
.LBB1_1:
0x1e: {  	p1 =	sge.u32 s11, s5  }
0x1f: {  	s14 =	sand.u32 @!p1 $0x1FFFFFF, s9  }
0x20: {  	s15 =	smulhi.u32 @!p1 $0x147AE15, s14;
	_ =	sdelay $0x1  }
0x21: {  	s15 =	smul.u32 @!p1 $0xC8, s15  }
0x22: {  	s16 =	sxor.u32 @!p1 $0xFFFFFFFF, s11;
	s17 =	smul.u32 @!p1 $0xC80, s10  }
0x23: {  	s31 =	sadd.s32 $0xFFFFFFFF, s11;
	s16 =	sshll.u32 @!p1 s16, $0xD;
	s14 =	ssub.s32 @!p1 s14, s15  }
0x24: {  	s15 =	sand.u32 @!p1 $0x2000, s16;
	s16 =	sadd.s32 @!p1 s6, s17;
	s14 =	sshll.u32 @!p1 s14, $0x4  }
0x25: {  	s17 =	simm.s32 @!p1 $0x6400;
	s14 =	sadd.s32 @!p1 s14, s16;
	s16 =	simm.s32 @!p1 $0x40  }
0x26: {  	[tilespmem:s15], [sflag:$0x1] =	stream.strided.gather @!p1 [hbm4b:s14+s16], $0x2000, s17, s16, $0x38;
	[tilespmem:$0x8080] =	vst v63  }
0x27: {  	p1 =	sge.u32 s31, s5  }
.Ltmp2:
0x28: {  	_ = 	snop;
	(pc) =	sbr.rel @p1 .LBB1_5-.Ltmp2, $1  }
0x29: {  	_ =	sdelay $0x3  }
0x2a: {  	s14 =	simm.s32 $0x1  }
0x2b: {  	_ =	swait.ge [sflag:s4], $0x2000;
	s14 =	simm.s32 @!p0 $0x0  }
0x2c: {  	[sflag:s4] =	ssyncset.done $0x0;
	s15 =	sshll.u32 s14, $0xD  }
0x2d: {  	[sflag:s4] =	ssyncadd.s32 $0xFFFFE000;
	s18 =	sor.u32 $0x20, s15  }
0x2e: {  	s14 =	smul.u32 $0x8100, s14;
	v3 =	vld [tilespmem:s18+$0x10]  }
0x2f: {  	s30 =	sand.u32 $0x1, s11;
	v2 =	vld [tilespmem:s18+$0xFFFFFFF0]  }
0x30: {  	s15 =	smul.u32 $0x8100, s30;
	s14 =	sshrl.u32 s14, $0x2;
	v0 =	vld [tilespmem:s18+$0x0]  }
0x31: {  	v1 =	vld [tilespmem:s18+$0xFFFFFFE0];
	s16 =	sor.u32 $0x4000, s14  }
0x32: {  	s31 =	sshrl.u32 s15, $0x2;
	s15 =	sadd.s32 $0x0, s16  }
0x33: {  	s17 =	simm.s32 $0x4;
	s18 =	sadd.s32 $0x40, s18;
	s14 =	sor.u32 $0x4000, s31;
	[tilespmem:s15+$0x1830 ss:$0x81] =	vst.msk $0xffff, v3  }
.LBB1_3:
0x34: {  	v3 =	vld [tilespmem:s18+$0x10];
	p1 =	sne.s32 s17, $0x1FC;
	[tilespmem:s15+$0x810 ss:$0x81] =	vst.msk $0xffff, v2;
	s19 =	smov.u32 s17;
	s17 =	sadd.s32 $0x4, s17  }
.Ltmp3:
0x35: {  	v2 =	vld [tilespmem:s18+$0xFFFFFFF0];
	[tilespmem:s15+$0x1020 ss:$0x81] =	vst.msk $0xffff, v0;
	(pc) =	sbr.rel @p1 .LBB1_3-.Ltmp3, $4  }
0x36: {  	v0 =	vld [tilespmem:s18+$0x0];
	[tilespmem:s15+$0x0 ss:$0x81] =	vst.msk $0xffff, v1  }
0x37: {  	s15 =	sshra.s32 s19, $0x2;
	v1 =	vld [tilespmem:s18+$0xFFFFFFE0]  }
0x38: {  	s15 =	sadd.s32 s15, s16  }
0x39: {  	s18 =	sadd.s32 $0x40, s18;
	[tilespmem:s15+$0x1830 ss:$0x81] =	vst.msk $0xffff, v3  }
.Ltmp4:
0x3a: {  	_ = 	snop;
	(pc) =	sbr.rel .LBB1_4-.Ltmp4, $1  }
0x3b: {  	_ =	sdelay $0x3  }
.LBB1_6:
0x3c: {  	_ =	sfence.sel $0x180000  }
0x3d: {  	s2 =	simm.s32 $0x1;
	[bflag:$0x0] =	sbarrier.arrive $0xFFFF  }
0x3e: {  	s31 =	simm.s32 $0x2;
	[sflag:s2] =	ssyncpa.u1 $0x1  }
0x3f: {  	[sflag:s31] =	ssyncpa.u1 $0x1  }
0x40: {  	p0 =	sne.s32 s0, $0x0;
	_ =	strace $0x9000004A  }
0x41: {  	s0 =	sadd.s32 @!p0 $0x100000, s1;
	[bflag:$0x2] =	sbarrier.arrive $0xFFFF  }
0x42: {  	[sflag:s0] =	ssyncadd.tile.s32 @!p0 $0x1;
	_ =	shalt  }
.Lfunc_end1:
_tile_overlayer_lowered:
.L_overlay_start_2:
0x43: {  	(tag) =	ssettag $0x2  }
0x44: {  	s0 =	rddreg [dreg:$0x0];
	s2 =	stileid.u32  }
0x45: {  	s1 =	rddreg [dreg:$0x1];
	p0 =	sne.s32 s2, $0x0  }
0x46: {  	s3 =	rddreg [dreg:$0x2];
	[bflag:$0x3] =	sbarrier.arrive $0xFFFF;
	s2 =	simm.s32 @!p0 $0x1C01  }
0x47: {  	[timem:s3], [sflag:s2] =	dma.local @!p0 [hbm:s0], s1  }
0x48: {  	s0 =	simm.s32 @!p0 $0x1  }
0x49: {  	_ =	swait.ge @!p0 [sflag:s0], s1  }
0x4a: {  	s1 =	ssub.s32 @!p0 $0x0, s1;
	[sflag:s0] =	ssyncset.done @!p0 $0x0  }
0x4b: {  	[sflag:s0] =	ssyncadd.s32 @!p0 s1  }
0x4c: {  	[bflag:$0x3] =	sbarrier.arrive $0xFFFF  }
0x4d: {  	_ =	shalt  }

</sc_bundles>
